<compile_context>
chip_gen: v7x
topology: tpu7x:2x2x1
jax: 0.10.2.dev20260603
libtpu: 0.0.44.dev20260713+nightly
codegen_flags: <defaults>
</compile_context>

<pallas_src>
import functools

import jax
import jax.numpy as jnp
from jax import lax
from jax.experimental import pallas as pl
from jax.experimental.pallas import tpu as pltpu
from jax.experimental.pallas import tpu_sc as plsc

N_HALF = 10000
N = 2 * N_HALF
D = 128
E = 160000
NS = 16
NC = 2
EPT = E // NS
CHUNK = 128
NCHUNK = 80
EPT_PAD = NCHUNK * CHUNK
ZROWS = 632
ACC_ROWS = NS * ZROWS
FROWS = 624
FTAIL = N_HALF - NS * FROWS
DUMMY = N_HALF
BN_EPS_K = 1e-5
R_BLK = 2000
GRID = N // R_BLK

_sc_mesh = plsc.VectorSubcoreMesh(core_axis_name="c", subcore_axis_name="s",
                                  num_cores=NC)


@functools.partial(
    pl.kernel,
    mesh=_sc_mesh,
    out_type=jax.ShapeDtypeStruct((N, D), jnp.float32),
    scratch_types=[
        pltpu.VMEM((NCHUNK, CHUNK), jnp.int32),
        pltpu.VMEM((NCHUNK, CHUNK), jnp.int32),
        pltpu.VMEM((CHUNK, D), jnp.float32),
        pltpu.VMEM_SHARED((ACC_ROWS, D), jnp.float32),
        pltpu.SemaphoreType.DMA,
    ],
)
def _sc_scatter(y_hbm, srcp_hbm, dstp_hbm, zeros_hbm, agg_hbm,
                src_v, dst_v, buf, acc_sh, gsem):
    c = lax.axis_index("c")
    s = lax.axis_index("s")
    pltpu.sync_copy(zeros_hbm.at[pl.ds(0, ZROWS)],
                    acc_sh.at[pl.ds(s * ZROWS, ZROWS)])
    pltpu.sync_copy(srcp_hbm.at[c, s], src_v)
    pltpu.sync_copy(dstp_hbm.at[c, s], dst_v)
    plsc.subcore_barrier()

    def body(j, carry):
        pltpu.async_copy(y_hbm.at[src_v.at[j]], buf, gsem).wait()
        pltpu.sync_copy(buf, acc_sh.at[dst_v.at[j]], add=True)
        return carry

    lax.fori_loop(0, NCHUNK, body, 0, unroll=False)
    plsc.subcore_barrier()
    pltpu.sync_copy(acc_sh.at[pl.ds(s * FROWS, FROWS)],
                    agg_hbm.at[pl.ds(c * N_HALF + s * FROWS, FROWS)])

    @pl.when(s == NS - 1)
    def _flush_tail():
        pltpu.sync_copy(acc_sh.at[pl.ds(NS * FROWS, FTAIL)],
                        agg_hbm.at[pl.ds(c * N_HALF + NS * FROWS, FTAIL)])


@functools.partial(
    pl.kernel,
    mesh=_sc_mesh,
    out_type=jax.ShapeDtypeStruct((N, D), jnp.float32),
    scratch_types=[
        pltpu.VMEM((NCHUNK, CHUNK), jnp.int32),
        pltpu.VMEM((CHUNK, D), jnp.float32),
        pltpu.VMEM_SHARED((ACC_ROWS, D), jnp.float32),
    ],
)
def _sc_deg(dstp_hbm, zeros_hbm, ones_hbm, deg_hbm, dst_v, ones_v, acc_sh):
    c = lax.axis_index("c")
    s = lax.axis_index("s")
    pltpu.sync_copy(zeros_hbm.at[pl.ds(0, ZROWS)],
                    acc_sh.at[pl.ds(s * ZROWS, ZROWS)])
    pltpu.sync_copy(dstp_hbm.at[c, s], dst_v)
    pltpu.sync_copy(ones_hbm, ones_v)
    plsc.subcore_barrier()

    def body(j, carry):
        pltpu.sync_copy(ones_v, acc_sh.at[dst_v.at[j]], add=True)
        return carry

    lax.fori_loop(0, NCHUNK, body, 0, unroll=False)
    plsc.subcore_barrier()
    pltpu.sync_copy(acc_sh.at[pl.ds(s * FROWS, FROWS)],
                    deg_hbm.at[pl.ds(c * N_HALF + s * FROWS, FROWS)])

    @pl.when(s == NS - 1)
    def _flush_tail():
        pltpu.sync_copy(acc_sh.at[pl.ds(NS * FROWS, FTAIL)],
                        deg_hbm.at[pl.ds(c * N_HALF + NS * FROWS, FTAIL)])


def _tc_prep_body(deg_ref, x_ref, w_ref, dis_ref, y_ref):
    deg = deg_ref[:, 0:1]
    dis = jnp.where(deg > 0.0, lax.rsqrt(deg), 0.0)
    dis_ref[:] = dis
    y_ref[:] = jnp.dot(dis * x_ref[:], w_ref[:],
                       preferred_element_type=jnp.float32)


_tc_prep = pl.pallas_call(
    _tc_prep_body,
    grid=(GRID,),
    in_specs=[
        pl.BlockSpec((R_BLK, D), lambda i: (i, 0)),
        pl.BlockSpec((R_BLK, D), lambda i: (i, 0)),
        pl.BlockSpec((D, D), lambda i: (0, 0)),
    ],
    out_specs=[
        pl.BlockSpec((R_BLK, 1), lambda i: (i, 0)),
        pl.BlockSpec((R_BLK, D), lambda i: (i, 0)),
    ],
    out_shape=[
        jax.ShapeDtypeStruct((N, 1), jnp.float32),
        jax.ShapeDtypeStruct((N, D), jnp.float32),
    ],
)


def _tc_mid_body(agg_ref, dis_ref, ab_ref, w_ref, y_ref):
    dis = dis_ref[:]
    h = jnp.maximum(ab_ref[0:1, :] * (dis * agg_ref[:]) + ab_ref[1:2, :], 0.0)
    y_ref[:] = jnp.dot(dis * h, w_ref[:], preferred_element_type=jnp.float32)


_tc_mid = pl.pallas_call(
    _tc_mid_body,
    grid=(GRID,),
    in_specs=[
        pl.BlockSpec((R_BLK, D), lambda i: (i, 0)),
        pl.BlockSpec((R_BLK, 1), lambda i: (i, 0)),
        pl.BlockSpec((2, D), lambda i: (0, 0)),
        pl.BlockSpec((D, D), lambda i: (0, 0)),
    ],
    out_specs=pl.BlockSpec((R_BLK, D), lambda i: (i, 0)),
    out_shape=jax.ShapeDtypeStruct((N, D), jnp.float32),
)


def _tc_fin_body(agg_ref, dis_ref, ab_ref, o_ref):
    dis = dis_ref[:]
    o_ref[:] = jnp.maximum(
        ab_ref[0:1, :] * (dis * agg_ref[:]) + ab_ref[1:2, :], 0.0)


_tc_fin = pl.pallas_call(
    _tc_fin_body,
    grid=(GRID,),
    in_specs=[
        pl.BlockSpec((R_BLK, D), lambda i: (i, 0)),
        pl.BlockSpec((R_BLK, 1), lambda i: (i, 0)),
        pl.BlockSpec((2, D), lambda i: (0, 0)),
    ],
    out_specs=pl.BlockSpec((R_BLK, D), lambda i: (i, 0)),
    out_shape=jax.ShapeDtypeStruct((N, D), jnp.float32),
)


def _prep_edges(src, dst):
    src = src.reshape(NS, EPT)
    dst = dst.reshape(NS, EPT)
    pad = EPT_PAD - EPT
    src = jnp.pad(src, ((0, 0), (0, pad)))
    dst = jnp.pad(dst, ((0, 0), (0, pad)), constant_values=DUMMY)
    return src.reshape(NS, NCHUNK, CHUNK), dst.reshape(NS, NCHUNK, CHUNK)


def kernel(x_user, x_item, edge_index_ui, edge_index_iu,
           W1, b1, g1, be1, W2, b2, g2, be2, W3, b3, g3, be3):
    f32 = jnp.float32
    x = jnp.concatenate([x_user, x_item], axis=0)
    ei_ui = edge_index_ui.astype(jnp.int32)
    ei_iu = edge_index_iu.astype(jnp.int32)
    s0, d0 = _prep_edges(ei_iu[0] + N_HALF, ei_iu[1])
    s1, d1 = _prep_edges(ei_ui[0], ei_ui[1])
    srcp = jnp.stack([s0, s1])
    dstp = jnp.stack([d0, d1])
    zeros = jnp.zeros((ZROWS, D), f32)
    ones = jnp.ones((CHUNK, D), f32)

    inv_std = 1.0 / jnp.sqrt(jnp.asarray(1.0 + BN_EPS_K, f32))

    def ab(g, b, be):
        a = g * inv_std
        return jnp.stack([a, a * b + be])

    deg16 = _sc_deg(dstp, zeros, ones)
    dis, y = _tc_prep(deg16, x, W1)
    agg = _sc_scatter(y, srcp, dstp, zeros)
    y = _tc_mid(agg, dis, ab(g1, b1, be1), W2)
    agg = _sc_scatter(y, srcp, dstp, zeros)
    y = _tc_mid(agg, dis, ab(g2, b2, be2), W3)
    agg = _sc_scatter(y, srcp, dstp, zeros)
    out = _tc_fin(agg, dis, ab(g3, b3, be3))
    return (out[:N_HALF], out[N_HALF:])

# --- scband reference (transcript-rebuilt; emitter-appended) ---
"""Pipeline reference for scband-homogenized-gcnbackbone-17892833755507 (READ-ONLY COPY).

The authoritative reference and input builder live on the scoring server;
editing this copy changes nothing except your own understanding.
"""

import jax, jax.numpy as jnp
import numpy as np

N_USER = 10000
N_ITEM = 10000
D = 128
E = 160000
L = 3
BN_EPS = 1e-5


def setup_inputs(seed: int = 0) -> dict:
    key = jax.random.key(seed)
    ks = jax.random.split(key, 4 + 2 * L)
    inp = {}
    inp["x_user"] = jax.random.normal(ks[0], (N_USER, D), dtype=jnp.float32)
    inp["x_item"] = jax.random.normal(ks[1], (N_ITEM, D), dtype=jnp.float32)
    inp["edge_index_ui"] = jax.random.randint(ks[2], (2, E), 0, N_USER)
    inp["edge_index_iu"] = jax.random.randint(ks[3], (2, E), 0, N_ITEM)
    for l in range(L):
        inp[f"W{l+1}"] = jax.random.normal(ks[4 + 2 * l], (D, D), dtype=jnp.float32) * 0.05
        inp[f"b{l+1}"] = jax.random.normal(ks[5 + 2 * l], (D,), dtype=jnp.float32) * 0.01
        inp[f"g{l+1}"] = jnp.ones((D,), dtype=jnp.float32)
        inp[f"be{l+1}"] = jnp.zeros((D,), dtype=jnp.float32)
    return inp


def reference(x_user, x_item, edge_index_ui, edge_index_iu,
              W1, b1, g1, be1, W2, b2, g2, be2, W3, b3, g3, be3):
    # HeteroData.to_homogeneous: concatenate node stores with type offsets
    off = x_user.shape[0]
    N = x_user.shape[0] + x_item.shape[0]
    x = jnp.concatenate([x_user, x_item], axis=0)
    # user->item edges: dst gets item offset; item->user edges: src gets item offset
    src = jnp.concatenate([edge_index_ui[0], edge_index_iu[0] + off])
    dst = jnp.concatenate([edge_index_ui[1] + off, edge_index_iu[1]])
    # GCN symmetric normalization (add_self_loops=False): deg from dst (col)
    deg = jnp.zeros((N,), dtype=x.dtype).at[dst].add(1.0)
    dis = jnp.where(deg > 0, deg ** -0.5, 0.0)
    norm = dis[src] * dis[dst]
    params = [(W1, b1, g1, be1), (W2, b2, g2, be2), (W3, b3, g3, be3)]
    inv_std = 1.0 / jnp.sqrt(1.0 + BN_EPS)  # eval-mode BN: running_mean=0, running_var=1
    for (W, b, g, be) in params:
        h = x @ W                      # GCNConv linear transform
        msg = norm[:, None] * h[src]   # gather + normalize
        agg = jnp.zeros((N, h.shape[1]), dtype=h.dtype).at[dst].add(msg)  # scatter-add
        x = agg + b                    # GCNConv bias after aggregation
        x = g * (x * inv_std) + be     # BatchNorm1d in eval mode
        x = jax.nn.relu(x)
        # dropout inactive in eval
    return (x[:off], x[off:])

if __name__ == "__main__":
    import jax
    _d = setup_inputs()
    print(jax.jit(kernel)(*tuple(_d.values())))

</pallas_src>

<mosaic_0001>
#map = affine_map<(d0, d1) -> (0, 0, 0, 0)>
#map1 = affine_map<(d0, d1) -> (0, 0)>
module attributes {stable_mosaic.version = 14 : i64} {
  func.func @_sc_deg(%arg0: i32, %arg1: i32, %arg2: memref<2x16x80x128xi32, #tpu.memory_space<hbm>>, %arg3: memref<632x128xf32, #tpu.memory_space<hbm>>, %arg4: memref<128x128xf32, #tpu.memory_space<hbm>>, %arg5: memref<20000x128xf32, #tpu.memory_space<hbm>>, %arg6: memref<80x128xi32, #tpu.memory_space<vmem>>, %arg7: memref<128x128xf32, #tpu.memory_space<vmem>>, %arg8: memref<10112x128xf32, #tpu.memory_space<vmem_shared>>) attributes {dimension_semantics = [#tpu.dimension_semantics<core_parallel>, #tpu.dimension_semantics<subcore_parallel>], iteration_bounds = array<i64: 2, 16>, scalar_prefetch = 0 : i64, scratch_operands = 3 : i64, tpu.core_type = #tpu.core_type<sc_vector_subcore>, window_params = [{transform_indices = #map}, {transform_indices = #map1}, {transform_indices = #map1}, {transform_indices = #map1}]} {
    %mul3A = arith.constant 632 : i32
    %mul3A_0 = arith.muli %arg1, %mul3A : i32
    "tpu.region"() ({
      %run_scoped3A = tpu.sem_alloc : memref<!tpu.dma_semaphore, #tpu.memory_space<semaphore_mem>>
      %dma_start3A = arith.constant 0 : i32
      %dma_start3A_15 = tpu.memref_slice %arg8[%mul3A_0, %dma_start3A] : memref<10112x128xf32, #tpu.memory_space<vmem_shared>> -> memref<632x128xf32, #tpu.memory_space<vmem_shared>>
      %dma_start3A_16 = arith.constant 0 : i32
      %dma_start3A_17 = arith.constant 0 : i32
      %dma_start3A_18 = tpu.memref_slice %arg3[%dma_start3A_16, %dma_start3A_17] : memref<632x128xf32, #tpu.memory_space<hbm>> -> memref<632x128xf32, #tpu.memory_space<hbm>>
      tpu.enqueue_dma source(%dma_start3A_18 : memref<632x128xf32, #tpu.memory_space<hbm>>) target(%dma_start3A_15 : memref<632x128xf32, #tpu.memory_space<vmem_shared>>) target_semaphore(%run_scoped3A : memref<!tpu.dma_semaphore, #tpu.memory_space<semaphore_mem>>)
      %dma_wait3A = arith.constant 0 : i32
      %dma_wait3A_19 = tpu.memref_slice %arg8[%mul3A_0, %dma_wait3A] : memref<10112x128xf32, #tpu.memory_space<vmem_shared>> -> memref<632x128xf32, #tpu.memory_space<vmem_shared>>
      %dma_wait3A_20 = arith.constant 0 : i32
      %dma_wait3A_21 = arith.constant 0 : i32
      %dma_wait3A_22 = tpu.memref_slice %arg3[%dma_wait3A_20, %dma_wait3A_21] : memref<632x128xf32, #tpu.memory_space<hbm>> -> memref<632x128xf32, #tpu.memory_space<hbm>>
      tpu.wait_dma2 semaphore(%run_scoped3A : memref<!tpu.dma_semaphore, #tpu.memory_space<semaphore_mem>>) src(%dma_wait3A_22 : memref<632x128xf32, #tpu.memory_space<hbm>>) dst(%dma_wait3A_19 : memref<632x128xf32, #tpu.memory_space<vmem_shared>>)
      tpu.yield
    }) : () -> ()
    "tpu.region"() ({
      %run_scoped3A = tpu.sem_alloc : memref<!tpu.dma_semaphore, #tpu.memory_space<semaphore_mem>>
      %dma_start3A = arith.constant 0 : i32
      %dma_start3A_15 = arith.constant 0 : i32
      %dma_start3A_16 = tpu.memref_slice %arg2[%arg0, %arg1, %dma_start3A, %dma_start3A_15] : memref<2x16x80x128xi32, #tpu.memory_space<hbm>> -> memref<1x1x80x128xi32, #tpu.memory_space<hbm>>
      %dma_start3A_17 = tpu.memref_squeeze %dma_start3A_16 : memref<1x1x80x128xi32, #tpu.memory_space<hbm>> -> memref<80x128xi32, #tpu.memory_space<hbm>>
      %dma_start3A_18 = arith.constant 0 : i32
      %dma_start3A_19 = arith.constant 0 : i32
      %dma_start3A_20 = tpu.memref_slice %arg2[%arg0, %arg1, %dma_start3A_18, %dma_start3A_19] : memref<2x16x80x128xi32, #tpu.memory_space<hbm>> -> memref<1x1x80x128xi32, #tpu.memory_space<hbm>>
      %dma_start3A_21 = tpu.memref_squeeze %dma_start3A_20 : memref<1x1x80x128xi32, #tpu.memory_space<hbm>> -> memref<80x128xi32, #tpu.memory_space<hbm>>
      tpu.enqueue_dma source(%dma_start3A_21 : memref<80x128xi32, #tpu.memory_space<hbm>>) target(%arg6 : memref<80x128xi32, #tpu.memory_space<vmem>>) target_semaphore(%run_scoped3A : memref<!tpu.dma_semaphore, #tpu.memory_space<semaphore_mem>>)
      %dma_wait3A = arith.constant 0 : i32
      %dma_wait3A_22 = arith.constant 0 : i32
      %dma_wait3A_23 = tpu.memref_slice %arg2[%arg0, %arg1, %dma_wait3A, %dma_wait3A_22] : memref<2x16x80x128xi32, #tpu.memory_space<hbm>> -> memref<1x1x80x128xi32, #tpu.memory_space<hbm>>
      %dma_wait3A_24 = tpu.memref_squeeze %dma_wait3A_23 : memref<1x1x80x128xi32, #tpu.memory_space<hbm>> -> memref<80x128xi32, #tpu.memory_space<hbm>>
      %dma_wait3A_25 = arith.constant 0 : i32
      %dma_wait3A_26 = arith.constant 0 : i32
      %dma_wait3A_27 = tpu.memref_slice %arg2[%arg0, %arg1, %dma_wait3A_25, %dma_wait3A_26] : memref<2x16x80x128xi32, #tpu.memory_space<hbm>> -> memref<1x1x80x128xi32, #tpu.memory_space<hbm>>
      %dma_wait3A_28 = tpu.memref_squeeze %dma_wait3A_27 : memref<1x1x80x128xi32, #tpu.memory_space<hbm>> -> memref<80x128xi32, #tpu.memory_space<hbm>>
      tpu.wait_dma2 semaphore(%run_scoped3A : memref<!tpu.dma_semaphore, #tpu.memory_space<semaphore_mem>>) src(%dma_wait3A_28 : memref<80x128xi32, #tpu.memory_space<hbm>>) dst(%arg6 : memref<80x128xi32, #tpu.memory_space<vmem>>)
      tpu.yield
    }) : () -> ()
    "tpu.region"() ({
      %run_scoped3A = tpu.sem_alloc : memref<!tpu.dma_semaphore, #tpu.memory_space<semaphore_mem>>
      tpu.enqueue_dma source(%arg4 : memref<128x128xf32, #tpu.memory_space<hbm>>) target(%arg7 : memref<128x128xf32, #tpu.memory_space<vmem>>) target_semaphore(%run_scoped3A : memref<!tpu.dma_semaphore, #tpu.memory_space<semaphore_mem>>)
      tpu.wait_dma2 semaphore(%run_scoped3A : memref<!tpu.dma_semaphore, #tpu.memory_space<semaphore_mem>>) src(%arg4 : memref<128x128xf32, #tpu.memory_space<hbm>>) dst(%arg7 : memref<128x128xf32, #tpu.memory_space<vmem>>)
      tpu.yield
    }) : () -> ()
    %barrier3A = arith.constant 0 : index
    tpu.barrier barrier_id(%barrier3A)
    %scan3A = arith.constant 0 : i32
    %scan3A_1 = arith.constant 0 : i32
    %scan3A_2 = arith.constant 80 : i32
    %scan3A_3 = arith.addi %scan3A_1, %scan3A_2 : i32
    %scan3A_4 = arith.constant 1 : i32
    scf.for %scan3A_15 = %scan3A_1 to %scan3A_3 step %scan3A_4  : i32 {
      "tpu.region"() ({
        %run_scoped3A = tpu.sem_alloc : memref<!tpu.dma_semaphore, #tpu.memory_space<semaphore_mem>>
        %dma_start3A = arith.constant 0 : i32
        %dma_start3A_16 = tpu.memref_slice %arg6[%scan3A_15, %dma_start3A] : memref<80x128xi32, #tpu.memory_space<vmem>> -> memref<1x128xi32, #tpu.memory_space<vmem>>
        %dma_start3A_17 = tpu.memref_squeeze %dma_start3A_16 : memref<1x128xi32, #tpu.memory_space<vmem>> -> memref<128xi32, #tpu.memory_space<vmem>>
        %dma_start3A_18 = arith.constant 0 : i32
        %dma_start3A_19 = arith.constant 0 : i32
        %dma_start3A_20 = tpu.memref_slice %arg8[%dma_start3A_18, %dma_start3A_19] : memref<10112x128xf32, #tpu.memory_space<vmem_shared>> -> memref<10112x128xf32, #tpu.memory_space<vmem_shared>>
        tpu.enqueue_indirect_dma source(%arg7 : memref<128x128xf32, #tpu.memory_space<vmem>>) target(%dma_start3A_20 : memref<10112x128xf32, #tpu.memory_space<vmem_shared>>) offsets(%dma_start3A_17 : memref<128xi32, #tpu.memory_space<vmem>>) semaphore(%run_scoped3A : memref<!tpu.dma_semaphore, #tpu.memory_space<semaphore_mem>>) {add = true}
        %dma_wait3A = arith.constant 0 : i32
        %dma_wait3A_21 = tpu.memref_slice %arg6[%scan3A_15, %dma_wait3A] : memref<80x128xi32, #tpu.memory_space<vmem>> -> memref<1x128xi32, #tpu.memory_space<vmem>>
        %dma_wait3A_22 = tpu.memref_squeeze %dma_wait3A_21 : memref<1x128xi32, #tpu.memory_space<vmem>> -> memref<128xi32, #tpu.memory_space<vmem>>
        %dma_wait3A_23 = arith.constant 0 : i32
        %dma_wait3A_24 = arith.constant 0 : i32
        %dma_wait3A_25 = tpu.memref_slice %arg8[%dma_wait3A_23, %dma_wait3A_24] : memref<10112x128xf32, #tpu.memory_space<vmem_shared>> -> memref<10112x128xf32, #tpu.memory_space<vmem_shared>>
        tpu.wait_indirect_dma semaphore(%run_scoped3A : memref<!tpu.dma_semaphore, #tpu.memory_space<semaphore_mem>>) src(%arg7 : memref<128x128xf32, #tpu.memory_space<vmem>>) dst(%dma_wait3A_25 : memref<10112x128xf32, #tpu.memory_space<vmem_shared>>)
        tpu.yield
      }) : () -> ()
    }
    %scan3A_5 = arith.constant 80 : i32
    %barrier3A_6 = arith.constant 0 : index
    tpu.barrier barrier_id(%barrier3A_6)
    %mul3A_7 = arith.constant 624 : i32
    %mul3A_8 = arith.muli %arg1, %mul3A_7 : i32
    %mul3A_9 = arith.constant 10000 : i32
    %mul3A_10 = arith.muli %arg0, %mul3A_9 : i32
    %mul3A_11 = arith.constant 624 : i32
    %mul3A_12 = arith.muli %arg1, %mul3A_11 : i32
    %add3A = arith.addi %mul3A_10, %mul3A_12 : i32
    "tpu.region"() ({
      %run_scoped3A = tpu.sem_alloc : memref<!tpu.dma_semaphore, #tpu.memory_space<semaphore_mem>>
      %dma_start3A = arith.constant 0 : i32
      %dma_start3A_15 = tpu.memref_slice %arg5[%add3A, %dma_start3A] : memref<20000x128xf32, #tpu.memory_space<hbm>> -> memref<624x128xf32, #tpu.memory_space<hbm>>
      %dma_start3A_16 = arith.constant 0 : i32
      %dma_start3A_17 = tpu.memref_slice %arg8[%mul3A_8, %dma_start3A_16] : memref<10112x128xf32, #tpu.memory_space<vmem_shared>> -> memref<624x128xf32, #tpu.memory_space<vmem_shared>>
      tpu.enqueue_dma source(%dma_start3A_17 : memref<624x128xf32, #tpu.memory_space<vmem_shared>>) target(%dma_start3A_15 : memref<624x128xf32, #tpu.memory_space<hbm>>) target_semaphore(%run_scoped3A : memref<!tpu.dma_semaphore, #tpu.memory_space<semaphore_mem>>)
      %dma_wait3A = arith.constant 0 : i32
      %dma_wait3A_18 = tpu.memref_slice %arg5[%add3A, %dma_wait3A] : memref<20000x128xf32, #tpu.memory_space<hbm>> -> memref<624x128xf32, #tpu.memory_space<hbm>>
      %dma_wait3A_19 = arith.constant 0 : i32
      %dma_wait3A_20 = tpu.memref_slice %arg8[%mul3A_8, %dma_wait3A_19] : memref<10112x128xf32, #tpu.memory_space<vmem_shared>> -> memref<624x128xf32, #tpu.memory_space<vmem_shared>>
      tpu.wait_dma2 semaphore(%run_scoped3A : memref<!tpu.dma_semaphore, #tpu.memory_space<semaphore_mem>>) src(%dma_wait3A_20 : memref<624x128xf32, #tpu.memory_space<vmem_shared>>) dst(%dma_wait3A_18 : memref<624x128xf32, #tpu.memory_space<hbm>>)
      tpu.yield
    }) : () -> ()
    %eq3A = arith.constant 15 : i32
    %eq3A_13 = arith.cmpi eq, %arg1, %eq3A : i32
    %convert_element_type3A = arith.extui %eq3A_13 : i1 to i32
    %cond3A = arith.constant 0 : i32
    %cond3A_14 = arith.cmpi ne, %convert_element_type3A, %cond3A : i32
    scf.if %cond3A_14 {
      %mul3A_15 = arith.constant 10000 : i32
      %mul3A_16 = arith.muli %arg0, %mul3A_15 : i32
      %add3A_17 = arith.constant 9984 : i32
      %add3A_18 = arith.addi %mul3A_16, %add3A_17 : i32
      "tpu.region"() ({
        %run_scoped3A = tpu.sem_alloc : memref<!tpu.dma_semaphore, #tpu.memory_space<semaphore_mem>>
        %dma_start3A = arith.constant 0 : i32
        %dma_start3A_19 = tpu.memref_slice %arg5[%add3A_18, %dma_start3A] : memref<20000x128xf32, #tpu.memory_space<hbm>> -> memref<16x128xf32, #tpu.memory_space<hbm>>
        %dma_start3A_20 = arith.constant 9984 : i32
        %dma_start3A_21 = arith.constant 0 : i32
        %dma_start3A_22 = tpu.memref_slice %arg8[%dma_start3A_20, %dma_start3A_21] : memref<10112x128xf32, #tpu.memory_space<vmem_shared>> -> memref<16x128xf32, #tpu.memory_space<vmem_shared>>
        tpu.enqueue_dma source(%dma_start3A_22 : memref<16x128xf32, #tpu.memory_space<vmem_shared>>) target(%dma_start3A_19 : memref<16x128xf32, #tpu.memory_space<hbm>>) target_semaphore(%run_scoped3A : memref<!tpu.dma_semaphore, #tpu.memory_space<semaphore_mem>>)
        %dma_wait3A = arith.constant 0 : i32
        %dma_wait3A_23 = tpu.memref_slice %arg5[%add3A_18, %dma_wait3A] : memref<20000x128xf32, #tpu.memory_space<hbm>> -> memref<16x128xf32, #tpu.memory_space<hbm>>
        %dma_wait3A_24 = arith.constant 9984 : i32
        %dma_wait3A_25 = arith.constant 0 : i32
        %dma_wait3A_26 = tpu.memref_slice %arg8[%dma_wait3A_24, %dma_wait3A_25] : memref<10112x128xf32, #tpu.memory_space<vmem_shared>> -> memref<16x128xf32, #tpu.memory_space<vmem_shared>>
        tpu.wait_dma2 semaphore(%run_scoped3A : memref<!tpu.dma_semaphore, #tpu.memory_space<semaphore_mem>>) src(%dma_wait3A_26 : memref<16x128xf32, #tpu.memory_space<vmem_shared>>) dst(%dma_wait3A_23 : memref<16x128xf32, #tpu.memory_space<hbm>>)
        tpu.yield
      }) : () -> ()
    } else {
    }
    return
  }
}

#map = affine_map<(d0, d1) -> (0, 0)>
#map1 = affine_map<(d0, d1) -> (0, 0, 0, 0)>
module attributes {stable_mosaic.version = 14 : i64} {
  func.func @_sc_scatter(%arg0: i32, %arg1: i32, %arg2: memref<20000x128xf32, #tpu.memory_space<hbm>>, %arg3: memref<2x16x80x128xi32, #tpu.memory_space<hbm>>, %arg4: memref<2x16x80x128xi32, #tpu.memory_space<hbm>>, %arg5: memref<632x128xf32, #tpu.memory_space<hbm>>, %arg6: memref<20000x128xf32, #tpu.memory_space<hbm>>, %arg7: memref<80x128xi32, #tpu.memory_space<vmem>>, %arg8: memref<80x128xi32, #tpu.memory_space<vmem>>, %arg9: memref<128x128xf32, #tpu.memory_space<vmem>>, %arg10: memref<10112x128xf32, #tpu.memory_space<vmem_shared>>, %arg11: memref<!tpu.dma_semaphore, #tpu.memory_space<semaphore_mem>>) attributes {dimension_semantics = [#tpu.dimension_semantics<core_parallel>, #tpu.dimension_semantics<subcore_parallel>], iteration_bounds = array<i64: 2, 16>, scalar_prefetch = 0 : i64, scratch_operands = 5 : i64, tpu.core_type = #tpu.core_type<sc_vector_subcore>, window_params = [{transform_indices = #map}, {transform_indices = #map1}, {transform_indices = #map1}, {transform_indices = #map}, {transform_indices = #map}]} {
    %mul3A = arith.constant 632 : i32
    %mul3A_0 = arith.muli %arg1, %mul3A : i32
    "tpu.region"() ({
      %run_scoped3A = tpu.sem_alloc : memref<!tpu.dma_semaphore, #tpu.memory_space<semaphore_mem>>
      %dma_start3A = arith.constant 0 : i32
      %dma_start3A_15 = tpu.memref_slice %arg10[%mul3A_0, %dma_start3A] : memref<10112x128xf32, #tpu.memory_space<vmem_shared>> -> memref<632x128xf32, #tpu.memory_space<vmem_shared>>
      %dma_start3A_16 = arith.constant 0 : i32
      %dma_start3A_17 = arith.constant 0 : i32
      %dma_start3A_18 = tpu.memref_slice %arg5[%dma_start3A_16, %dma_start3A_17] : memref<632x128xf32, #tpu.memory_space<hbm>> -> memref<632x128xf32, #tpu.memory_space<hbm>>
      tpu.enqueue_dma source(%dma_start3A_18 : memref<632x128xf32, #tpu.memory_space<hbm>>) target(%dma_start3A_15 : memref<632x128xf32, #tpu.memory_space<vmem_shared>>) target_semaphore(%run_scoped3A : memref<!tpu.dma_semaphore, #tpu.memory_space<semaphore_mem>>)
      %dma_wait3A = arith.constant 0 : i32
      %dma_wait3A_19 = tpu.memref_slice %arg10[%mul3A_0, %dma_wait3A] : memref<10112x128xf32, #tpu.memory_space<vmem_shared>> -> memref<632x128xf32, #tpu.memory_space<vmem_shared>>
      %dma_wait3A_20 = arith.constant 0 : i32
      %dma_wait3A_21 = arith.constant 0 : i32
      %dma_wait3A_22 = tpu.memref_slice %arg5[%dma_wait3A_20, %dma_wait3A_21] : memref<632x128xf32, #tpu.memory_space<hbm>> -> memref<632x128xf32, #tpu.memory_space<hbm>>
      tpu.wait_dma2 semaphore(%run_scoped3A : memref<!tpu.dma_semaphore, #tpu.memory_space<semaphore_mem>>) src(%dma_wait3A_22 : memref<632x128xf32, #tpu.memory_space<hbm>>) dst(%dma_wait3A_19 : memref<632x128xf32, #tpu.memory_space<vmem_shared>>)
      tpu.yield
    }) : () -> ()
    "tpu.region"() ({
      %run_scoped3A = tpu.sem_alloc : memref<!tpu.dma_semaphore, #tpu.memory_space<semaphore_mem>>
      %dma_start3A = arith.constant 0 : i32
      %dma_start3A_15 = arith.constant 0 : i32
      %dma_start3A_16 = tpu.memref_slice %arg3[%arg0, %arg1, %dma_start3A, %dma_start3A_15] : memref<2x16x80x128xi32, #tpu.memory_space<hbm>> -> memref<1x1x80x128xi32, #tpu.memory_space<hbm>>
      %dma_start3A_17 = tpu.memref_squeeze %dma_start3A_16 : memref<1x1x80x128xi32, #tpu.memory_space<hbm>> -> memref<80x128xi32, #tpu.memory_space<hbm>>
      %dma_start3A_18 = arith.constant 0 : i32
      %dma_start3A_19 = arith.constant 0 : i32
      %dma_start3A_20 = tpu.memref_slice %arg3[%arg0, %arg1, %dma_start3A_18, %dma_start3A_19] : memref<2x16x80x128xi32, #tpu.memory_space<hbm>> -> memref<1x1x80x128xi32, #tpu.memory_space<hbm>>
      %dma_start3A_21 = tpu.memref_squeeze %dma_start3A_20 : memref<1x1x80x128xi32, #tpu.memory_space<hbm>> -> memref<80x128xi32, #tpu.memory_space<hbm>>
      tpu.enqueue_dma source(%dma_start3A_21 : memref<80x128xi32, #tpu.memory_space<hbm>>) target(%arg7 : memref<80x128xi32, #tpu.memory_space<vmem>>) target_semaphore(%run_scoped3A : memref<!tpu.dma_semaphore, #tpu.memory_space<semaphore_mem>>)
      %dma_wait3A = arith.constant 0 : i32
      %dma_wait3A_22 = arith.constant 0 : i32
      %dma_wait3A_23 = tpu.memref_slice %arg3[%arg0, %arg1, %dma_wait3A, %dma_wait3A_22] : memref<2x16x80x128xi32, #tpu.memory_space<hbm>> -> memref<1x1x80x128xi32, #tpu.memory_space<hbm>>
      %dma_wait3A_24 = tpu.memref_squeeze %dma_wait3A_23 : memref<1x1x80x128xi32, #tpu.memory_space<hbm>> -> memref<80x128xi32, #tpu.memory_space<hbm>>
      %dma_wait3A_25 = arith.constant 0 : i32
      %dma_wait3A_26 = arith.constant 0 : i32
      %dma_wait3A_27 = tpu.memref_slice %arg3[%arg0, %arg1, %dma_wait3A_25, %dma_wait3A_26] : memref<2x16x80x128xi32, #tpu.memory_space<hbm>> -> memref<1x1x80x128xi32, #tpu.memory_space<hbm>>
      %dma_wait3A_28 = tpu.memref_squeeze %dma_wait3A_27 : memref<1x1x80x128xi32, #tpu.memory_space<hbm>> -> memref<80x128xi32, #tpu.memory_space<hbm>>
      tpu.wait_dma2 semaphore(%run_scoped3A : memref<!tpu.dma_semaphore, #tpu.memory_space<semaphore_mem>>) src(%dma_wait3A_28 : memref<80x128xi32, #tpu.memory_space<hbm>>) dst(%arg7 : memref<80x128xi32, #tpu.memory_space<vmem>>)
      tpu.yield
    }) : () -> ()
    "tpu.region"() ({
      %run_scoped3A = tpu.sem_alloc : memref<!tpu.dma_semaphore, #tpu.memory_space<semaphore_mem>>
      %dma_start3A = arith.constant 0 : i32
      %dma_start3A_15 = arith.constant 0 : i32
      %dma_start3A_16 = tpu.memref_slice %arg4[%arg0, %arg1, %dma_start3A, %dma_start3A_15] : memref<2x16x80x128xi32, #tpu.memory_space<hbm>> -> memref<1x1x80x128xi32, #tpu.memory_space<hbm>>
      %dma_start3A_17 = tpu.memref_squeeze %dma_start3A_16 : memref<1x1x80x128xi32, #tpu.memory_space<hbm>> -> memref<80x128xi32, #tpu.memory_space<hbm>>
      %dma_start3A_18 = arith.constant 0 : i32
      %dma_start3A_19 = arith.constant 0 : i32
      %dma_start3A_20 = tpu.memref_slice %arg4[%arg0, %arg1, %dma_start3A_18, %dma_start3A_19] : memref<2x16x80x128xi32, #tpu.memory_space<hbm>> -> memref<1x1x80x128xi32, #tpu.memory_space<hbm>>
      %dma_start3A_21 = tpu.memref_squeeze %dma_start3A_20 : memref<1x1x80x128xi32, #tpu.memory_space<hbm>> -> memref<80x128xi32, #tpu.memory_space<hbm>>
      tpu.enqueue_dma source(%dma_start3A_21 : memref<80x128xi32, #tpu.memory_space<hbm>>) target(%arg8 : memref<80x128xi32, #tpu.memory_space<vmem>>) target_semaphore(%run_scoped3A : memref<!tpu.dma_semaphore, #tpu.memory_space<semaphore_mem>>)
      %dma_wait3A = arith.constant 0 : i32
      %dma_wait3A_22 = arith.constant 0 : i32
      %dma_wait3A_23 = tpu.memref_slice %arg4[%arg0, %arg1, %dma_wait3A, %dma_wait3A_22] : memref<2x16x80x128xi32, #tpu.memory_space<hbm>> -> memref<1x1x80x128xi32, #tpu.memory_space<hbm>>
      %dma_wait3A_24 = tpu.memref_squeeze %dma_wait3A_23 : memref<1x1x80x128xi32, #tpu.memory_space<hbm>> -> memref<80x128xi32, #tpu.memory_space<hbm>>
      %dma_wait3A_25 = arith.constant 0 : i32
      %dma_wait3A_26 = arith.constant 0 : i32
      %dma_wait3A_27 = tpu.memref_slice %arg4[%arg0, %arg1, %dma_wait3A_25, %dma_wait3A_26] : memref<2x16x80x128xi32, #tpu.memory_space<hbm>> -> memref<1x1x80x128xi32, #tpu.memory_space<hbm>>
      %dma_wait3A_28 = tpu.memref_squeeze %dma_wait3A_27 : memref<1x1x80x128xi32, #tpu.memory_space<hbm>> -> memref<80x128xi32, #tpu.memory_space<hbm>>
      tpu.wait_dma2 semaphore(%run_scoped3A : memref<!tpu.dma_semaphore, #tpu.memory_space<semaphore_mem>>) src(%dma_wait3A_28 : memref<80x128xi32, #tpu.memory_space<hbm>>) dst(%arg8 : memref<80x128xi32, #tpu.memory_space<vmem>>)
      tpu.yield
    }) : () -> ()
    %barrier3A = arith.constant 0 : index
    tpu.barrier barrier_id(%barrier3A)
    %scan3A = arith.constant 0 : i32
    %scan3A_1 = arith.constant 0 : i32
    %scan3A_2 = arith.constant 80 : i32
    %scan3A_3 = arith.addi %scan3A_1, %scan3A_2 : i32
    %scan3A_4 = arith.constant 1 : i32
    scf.for %scan3A_15 = %scan3A_1 to %scan3A_3 step %scan3A_4  : i32 {
      %dma_start3A = arith.constant 0 : i32
      %dma_start3A_16 = tpu.memref_slice %arg7[%scan3A_15, %dma_start3A] : memref<80x128xi32, #tpu.memory_space<vmem>> -> memref<1x128xi32, #tpu.memory_space<vmem>>
      %dma_start3A_17 = tpu.memref_squeeze %dma_start3A_16 : memref<1x128xi32, #tpu.memory_space<vmem>> -> memref<128xi32, #tpu.memory_space<vmem>>
      %dma_start3A_18 = arith.constant 0 : i32
      %dma_start3A_19 = arith.constant 0 : i32
      %dma_start3A_20 = tpu.memref_slice %arg2[%dma_start3A_18, %dma_start3A_19] : memref<20000x128xf32, #tpu.memory_space<hbm>> -> memref<20000x128xf32, #tpu.memory_space<hbm>>
      tpu.enqueue_indirect_dma source(%dma_start3A_20 : memref<20000x128xf32, #tpu.memory_space<hbm>>) target(%arg9 : memref<128x128xf32, #tpu.memory_space<vmem>>) offsets(%dma_start3A_17 : memref<128xi32, #tpu.memory_space<vmem>>) semaphore(%arg11 : memref<!tpu.dma_semaphore, #tpu.memory_space<semaphore_mem>>)
      %dma_wait3A = arith.constant 0 : i32
      %dma_wait3A_21 = tpu.memref_slice %arg7[%scan3A_15, %dma_wait3A] : memref<80x128xi32, #tpu.memory_space<vmem>> -> memref<1x128xi32, #tpu.memory_space<vmem>>
      %dma_wait3A_22 = tpu.memref_squeeze %dma_wait3A_21 : memref<1x128xi32, #tpu.memory_space<vmem>> -> memref<128xi32, #tpu.memory_space<vmem>>
      %dma_wait3A_23 = arith.constant 0 : i32
      %dma_wait3A_24 = arith.constant 0 : i32
      %dma_wait3A_25 = tpu.memref_slice %arg2[%dma_wait3A_23, %dma_wait3A_24] : memref<20000x128xf32, #tpu.memory_space<hbm>> -> memref<20000x128xf32, #tpu.memory_space<hbm>>
      tpu.wait_indirect_dma semaphore(%arg11 : memref<!tpu.dma_semaphore, #tpu.memory_space<semaphore_mem>>) src(%dma_wait3A_25 : memref<20000x128xf32, #tpu.memory_space<hbm>>) dst(%arg9 : memref<128x128xf32, #tpu.memory_space<vmem>>)
      "tpu.region"() ({
        %run_scoped3A = tpu.sem_alloc : memref<!tpu.dma_semaphore, #tpu.memory_space<semaphore_mem>>
        %dma_start3A_26 = arith.constant 0 : i32
        %dma_start3A_27 = tpu.memref_slice %arg8[%scan3A_15, %dma_start3A_26] : memref<80x128xi32, #tpu.memory_space<vmem>> -> memref<1x128xi32, #tpu.memory_space<vmem>>
        %dma_start3A_28 = tpu.memref_squeeze %dma_start3A_27 : memref<1x128xi32, #tpu.memory_space<vmem>> -> memref<128xi32, #tpu.memory_space<vmem>>
        %dma_start3A_29 = arith.constant 0 : i32
        %dma_start3A_30 = arith.constant 0 : i32
        %dma_start3A_31 = tpu.memref_slice %arg10[%dma_start3A_29, %dma_start3A_30] : memref<10112x128xf32, #tpu.memory_space<vmem_shared>> -> memref<10112x128xf32, #tpu.memory_space<vmem_shared>>
        tpu.enqueue_indirect_dma source(%arg9 : memref<128x128xf32, #tpu.memory_space<vmem>>) target(%dma_start3A_31 : memref<10112x128xf32, #tpu.memory_space<vmem_shared>>) offsets(%dma_start3A_28 : memref<128xi32, #tpu.memory_space<vmem>>) semaphore(%run_scoped3A : memref<!tpu.dma_semaphore, #tpu.memory_space<semaphore_mem>>) {add = true}
        %dma_wait3A_32 = arith.constant 0 : i32
        %dma_wait3A_33 = tpu.memref_slice %arg8[%scan3A_15, %dma_wait3A_32] : memref<80x128xi32, #tpu.memory_space<vmem>> -> memref<1x128xi32, #tpu.memory_space<vmem>>
        %dma_wait3A_34 = tpu.memref_squeeze %dma_wait3A_33 : memref<1x128xi32, #tpu.memory_space<vmem>> -> memref<128xi32, #tpu.memory_space<vmem>>
        %dma_wait3A_35 = arith.constant 0 : i32
        %dma_wait3A_36 = arith.constant 0 : i32
        %dma_wait3A_37 = tpu.memref_slice %arg10[%dma_wait3A_35, %dma_wait3A_36] : memref<10112x128xf32, #tpu.memory_space<vmem_shared>> -> memref<10112x128xf32, #tpu.memory_space<vmem_shared>>
        tpu.wait_indirect_dma semaphore(%run_scoped3A : memref<!tpu.dma_semaphore, #tpu.memory_space<semaphore_mem>>) src(%arg9 : memref<128x128xf32, #tpu.memory_space<vmem>>) dst(%dma_wait3A_37 : memref<10112x128xf32, #tpu.memory_space<vmem_shared>>)
        tpu.yield
      }) : () -> ()
    }
    %scan3A_5 = arith.constant 80 : i32
    %barrier3A_6 = arith.constant 0 : index
    tpu.barrier barrier_id(%barrier3A_6)
    %mul3A_7 = arith.constant 624 : i32
    %mul3A_8 = arith.muli %arg1, %mul3A_7 : i32
    %mul3A_9 = arith.constant 10000 : i32
    %mul3A_10 = arith.muli %arg0, %mul3A_9 : i32
    %mul3A_11 = arith.constant 624 : i32
    %mul3A_12 = arith.muli %arg1, %mul3A_11 : i32
    %add3A = arith.addi %mul3A_10, %mul3A_12 : i32
    "tpu.region"() ({
      %run_scoped3A = tpu.sem_alloc : memref<!tpu.dma_semaphore, #tpu.memory_space<semaphore_mem>>
      %dma_start3A = arith.constant 0 : i32
      %dma_start3A_15 = tpu.memref_slice %arg6[%add3A, %dma_start3A] : memref<20000x128xf32, #tpu.memory_space<hbm>> -> memref<624x128xf32, #tpu.memory_space<hbm>>
      %dma_start3A_16 = arith.constant 0 : i32
      %dma_start3A_17 = tpu.memref_slice %arg10[%mul3A_8, %dma_start3A_16] : memref<10112x128xf32, #tpu.memory_space<vmem_shared>> -> memref<624x128xf32, #tpu.memory_space<vmem_shared>>
      tpu.enqueue_dma source(%dma_start3A_17 : memref<624x128xf32, #tpu.memory_space<vmem_shared>>) target(%dma_start3A_15 : memref<624x128xf32, #tpu.memory_space<hbm>>) target_semaphore(%run_scoped3A : memref<!tpu.dma_semaphore, #tpu.memory_space<semaphore_mem>>)
      %dma_wait3A = arith.constant 0 : i32
      %dma_wait3A_18 = tpu.memref_slice %arg6[%add3A, %dma_wait3A] : memref<20000x128xf32, #tpu.memory_space<hbm>> -> memref<624x128xf32, #tpu.memory_space<hbm>>
      %dma_wait3A_19 = arith.constant 0 : i32
      %dma_wait3A_20 = tpu.memref_slice %arg10[%mul3A_8, %dma_wait3A_19] : memref<10112x128xf32, #tpu.memory_space<vmem_shared>> -> memref<624x128xf32, #tpu.memory_space<vmem_shared>>
      tpu.wait_dma2 semaphore(%run_scoped3A : memref<!tpu.dma_semaphore, #tpu.memory_space<semaphore_mem>>) src(%dma_wait3A_20 : memref<624x128xf32, #tpu.memory_space<vmem_shared>>) dst(%dma_wait3A_18 : memref<624x128xf32, #tpu.memory_space<hbm>>)
      tpu.yield
    }) : () -> ()
    %eq3A = arith.constant 15 : i32
    %eq3A_13 = arith.cmpi eq, %arg1, %eq3A : i32
    %convert_element_type3A = arith.extui %eq3A_13 : i1 to i32
    %cond3A = arith.constant 0 : i32
    %cond3A_14 = arith.cmpi ne, %convert_element_type3A, %cond3A : i32
    scf.if %cond3A_14 {
      %mul3A_15 = arith.constant 10000 : i32
      %mul3A_16 = arith.muli %arg0, %mul3A_15 : i32
      %add3A_17 = arith.constant 9984 : i32
      %add3A_18 = arith.addi %mul3A_16, %add3A_17 : i32
      "tpu.region"() ({
        %run_scoped3A = tpu.sem_alloc : memref<!tpu.dma_semaphore, #tpu.memory_space<semaphore_mem>>
        %dma_start3A = arith.constant 0 : i32
        %dma_start3A_19 = tpu.memref_slice %arg6[%add3A_18, %dma_start3A] : memref<20000x128xf32, #tpu.memory_space<hbm>> -> memref<16x128xf32, #tpu.memory_space<hbm>>
        %dma_start3A_20 = arith.constant 9984 : i32
        %dma_start3A_21 = arith.constant 0 : i32
        %dma_start3A_22 = tpu.memref_slice %arg10[%dma_start3A_20, %dma_start3A_21] : memref<10112x128xf32, #tpu.memory_space<vmem_shared>> -> memref<16x128xf32, #tpu.memory_space<vmem_shared>>
        tpu.enqueue_dma source(%dma_start3A_22 : memref<16x128xf32, #tpu.memory_space<vmem_shared>>) target(%dma_start3A_19 : memref<16x128xf32, #tpu.memory_space<hbm>>) target_semaphore(%run_scoped3A : memref<!tpu.dma_semaphore, #tpu.memory_space<semaphore_mem>>)
        %dma_wait3A = arith.constant 0 : i32
        %dma_wait3A_23 = tpu.memref_slice %arg6[%add3A_18, %dma_wait3A] : memref<20000x128xf32, #tpu.memory_space<hbm>> -> memref<16x128xf32, #tpu.memory_space<hbm>>
        %dma_wait3A_24 = arith.constant 9984 : i32
        %dma_wait3A_25 = arith.constant 0 : i32
        %dma_wait3A_26 = tpu.memref_slice %arg10[%dma_wait3A_24, %dma_wait3A_25] : memref<10112x128xf32, #tpu.memory_space<vmem_shared>> -> memref<16x128xf32, #tpu.memory_space<vmem_shared>>
        tpu.wait_dma2 semaphore(%run_scoped3A : memref<!tpu.dma_semaphore, #tpu.memory_space<semaphore_mem>>) src(%dma_wait3A_26 : memref<16x128xf32, #tpu.memory_space<vmem_shared>>) dst(%dma_wait3A_23 : memref<16x128xf32, #tpu.memory_space<hbm>>)
        tpu.yield
      }) : () -> ()
    } else {
    }
    return
  }
}

#map = affine_map<(d0, d1) -> (0, 0)>
#map1 = affine_map<(d0, d1) -> (0, 0, 0, 0)>
module attributes {stable_mosaic.version = 14 : i64} {
  func.func @_sc_scatter(%arg0: i32, %arg1: i32, %arg2: memref<20000x128xf32, #tpu.memory_space<hbm>>, %arg3: memref<2x16x80x128xi32, #tpu.memory_space<hbm>>, %arg4: memref<2x16x80x128xi32, #tpu.memory_space<hbm>>, %arg5: memref<632x128xf32, #tpu.memory_space<hbm>>, %arg6: memref<20000x128xf32, #tpu.memory_space<hbm>>, %arg7: memref<80x128xi32, #tpu.memory_space<vmem>>, %arg8: memref<80x128xi32, #tpu.memory_space<vmem>>, %arg9: memref<128x128xf32, #tpu.memory_space<vmem>>, %arg10: memref<10112x128xf32, #tpu.memory_space<vmem_shared>>, %arg11: memref<!tpu.dma_semaphore, #tpu.memory_space<semaphore_mem>>) attributes {dimension_semantics = [#tpu.dimension_semantics<core_parallel>, #tpu.dimension_semantics<subcore_parallel>], iteration_bounds = array<i64: 2, 16>, scalar_prefetch = 0 : i64, scratch_operands = 5 : i64, tpu.core_type = #tpu.core_type<sc_vector_subcore>, window_params = [{transform_indices = #map}, {transform_indices = #map1}, {transform_indices = #map1}, {transform_indices = #map}, {transform_indices = #map}]} {
    %mul3A = arith.constant 632 : i32
    %mul3A_0 = arith.muli %arg1, %mul3A : i32
    "tpu.region"() ({
      %run_scoped3A = tpu.sem_alloc : memref<!tpu.dma_semaphore, #tpu.memory_space<semaphore_mem>>
      %dma_start3A = arith.constant 0 : i32
      %dma_start3A_15 = tpu.memref_slice %arg10[%mul3A_0, %dma_start3A] : memref<10112x128xf32, #tpu.memory_space<vmem_shared>> -> memref<632x128xf32, #tpu.memory_space<vmem_shared>>
      %dma_start3A_16 = arith.constant 0 : i32
      %dma_start3A_17 = arith.constant 0 : i32
      %dma_start3A_18 = tpu.memref_slice %arg5[%dma_start3A_16, %dma_start3A_17] : memref<632x128xf32, #tpu.memory_space<hbm>> -> memref<632x128xf32, #tpu.memory_space<hbm>>
      tpu.enqueue_dma source(%dma_start3A_18 : memref<632x128xf32, #tpu.memory_space<hbm>>) target(%dma_start3A_15 : memref<632x128xf32, #tpu.memory_space<vmem_shared>>) target_semaphore(%run_scoped3A : memref<!tpu.dma_semaphore, #tpu.memory_space<semaphore_mem>>)
      %dma_wait3A = arith.constant 0 : i32
      %dma_wait3A_19 = tpu.memref_slice %arg10[%mul3A_0, %dma_wait3A] : memref<10112x128xf32, #tpu.memory_space<vmem_shared>> -> memref<632x128xf32, #tpu.memory_space<vmem_shared>>
      %dma_wait3A_20 = arith.constant 0 : i32
      %dma_wait3A_21 = arith.constant 0 : i32
      %dma_wait3A_22 = tpu.memref_slice %arg5[%dma_wait3A_20, %dma_wait3A_21] : memref<632x128xf32, #tpu.memory_space<hbm>> -> memref<632x128xf32, #tpu.memory_space<hbm>>
      tpu.wait_dma2 semaphore(%run_scoped3A : memref<!tpu.dma_semaphore, #tpu.memory_space<semaphore_mem>>) src(%dma_wait3A_22 : memref<632x128xf32, #tpu.memory_space<hbm>>) dst(%dma_wait3A_19 : memref<632x128xf32, #tpu.memory_space<vmem_shared>>)
      tpu.yield
    }) : () -> ()
    "tpu.region"() ({
      %run_scoped3A = tpu.sem_alloc : memref<!tpu.dma_semaphore, #tpu.memory_space<semaphore_mem>>
      %dma_start3A = arith.constant 0 : i32
      %dma_start3A_15 = arith.constant 0 : i32
      %dma_start3A_16 = tpu.memref_slice %arg3[%arg0, %arg1, %dma_start3A, %dma_start3A_15] : memref<2x16x80x128xi32, #tpu.memory_space<hbm>> -> memref<1x1x80x128xi32, #tpu.memory_space<hbm>>
      %dma_start3A_17 = tpu.memref_squeeze %dma_start3A_16 : memref<1x1x80x128xi32, #tpu.memory_space<hbm>> -> memref<80x128xi32, #tpu.memory_space<hbm>>
      %dma_start3A_18 = arith.constant 0 : i32
      %dma_start3A_19 = arith.constant 0 : i32
      %dma_start3A_20 = tpu.memref_slice %arg3[%arg0, %arg1, %dma_start3A_18, %dma_start3A_19] : memref<2x16x80x128xi32, #tpu.memory_space<hbm>> -> memref<1x1x80x128xi32, #tpu.memory_space<hbm>>
      %dma_start3A_21 = tpu.memref_squeeze %dma_start3A_20 : memref<1x1x80x128xi32, #tpu.memory_space<hbm>> -> memref<80x128xi32, #tpu.memory_space<hbm>>
      tpu.enqueue_dma source(%dma_start3A_21 : memref<80x128xi32, #tpu.memory_space<hbm>>) target(%arg7 : memref<80x128xi32, #tpu.memory_space<vmem>>) target_semaphore(%run_scoped3A : memref<!tpu.dma_semaphore, #tpu.memory_space<semaphore_mem>>)
      %dma_wait3A = arith.constant 0 : i32
      %dma_wait3A_22 = arith.constant 0 : i32
      %dma_wait3A_23 = tpu.memref_slice %arg3[%arg0, %arg1, %dma_wait3A, %dma_wait3A_22] : memref<2x16x80x128xi32, #tpu.memory_space<hbm>> -> memref<1x1x80x128xi32, #tpu.memory_space<hbm>>
      %dma_wait3A_24 = tpu.memref_squeeze %dma_wait3A_23 : memref<1x1x80x128xi32, #tpu.memory_space<hbm>> -> memref<80x128xi32, #tpu.memory_space<hbm>>
      %dma_wait3A_25 = arith.constant 0 : i32
      %dma_wait3A_26 = arith.constant 0 : i32
      %dma_wait3A_27 = tpu.memref_slice %arg3[%arg0, %arg1, %dma_wait3A_25, %dma_wait3A_26] : memref<2x16x80x128xi32, #tpu.memory_space<hbm>> -> memref<1x1x80x128xi32, #tpu.memory_space<hbm>>
      %dma_wait3A_28 = tpu.memref_squeeze %dma_wait3A_27 : memref<1x1x80x128xi32, #tpu.memory_space<hbm>> -> memref<80x128xi32, #tpu.memory_space<hbm>>
      tpu.wait_dma2 semaphore(%run_scoped3A : memref<!tpu.dma_semaphore, #tpu.memory_space<semaphore_mem>>) src(%dma_wait3A_28 : memref<80x128xi32, #tpu.memory_space<hbm>>) dst(%arg7 : memref<80x128xi32, #tpu.memory_space<vmem>>)
      tpu.yield
    }) : () -> ()
    "tpu.region"() ({
      %run_scoped3A = tpu.sem_alloc : memref<!tpu.dma_semaphore, #tpu.memory_space<semaphore_mem>>
      %dma_start3A = arith.constant 0 : i32
      %dma_start3A_15 = arith.constant 0 : i32
      %dma_start3A_16 = tpu.memref_slice %arg4[%arg0, %arg1, %dma_start3A, %dma_start3A_15] : memref<2x16x80x128xi32, #tpu.memory_space<hbm>> -> memref<1x1x80x128xi32, #tpu.memory_space<hbm>>
      %dma_start3A_17 = tpu.memref_squeeze %dma_start3A_16 : memref<1x1x80x128xi32, #tpu.memory_space<hbm>> -> memref<80x128xi32, #tpu.memory_space<hbm>>
      %dma_start3A_18 = arith.constant 0 : i32
      %dma_start3A_19 = arith.constant 0 : i32
      %dma_start3A_20 = tpu.memref_slice %arg4[%arg0, %arg1, %dma_start3A_18, %dma_start3A_19] : memref<2x16x80x128xi32, #tpu.memory_space<hbm>> -> memref<1x1x80x128xi32, #tpu.memory_space<hbm>>
      %dma_start3A_21 = tpu.memref_squeeze %dma_start3A_20 : memref<1x1x80x128xi32, #tpu.memory_space<hbm>> -> memref<80x128xi32, #tpu.memory_space<hbm>>
      tpu.enqueue_dma source(%dma_start3A_21 : memref<80x128xi32, #tpu.memory_space<hbm>>) target(%arg8 : memref<80x128xi32, #tpu.memory_space<vmem>>) target_semaphore(%run_scoped3A : memref<!tpu.dma_semaphore, #tpu.memory_space<semaphore_mem>>)
      %dma_wait3A = arith.constant 0 : i32
      %dma_wait3A_22 = arith.constant 0 : i32
      %dma_wait3A_23 = tpu.memref_slice %arg4[%arg0, %arg1, %dma_wait3A, %dma_wait3A_22] : memref<2x16x80x128xi32, #tpu.memory_space<hbm>> -> memref<1x1x80x128xi32, #tpu.memory_space<hbm>>
      %dma_wait3A_24 = tpu.memref_squeeze %dma_wait3A_23 : memref<1x1x80x128xi32, #tpu.memory_space<hbm>> -> memref<80x128xi32, #tpu.memory_space<hbm>>
      %dma_wait3A_25 = arith.constant 0 : i32
      %dma_wait3A_26 = arith.constant 0 : i32
      %dma_wait3A_27 = tpu.memref_slice %arg4[%arg0, %arg1, %dma_wait3A_25, %dma_wait3A_26] : memref<2x16x80x128xi32, #tpu.memory_space<hbm>> -> memref<1x1x80x128xi32, #tpu.memory_space<hbm>>
      %dma_wait3A_28 = tpu.memref_squeeze %dma_wait3A_27 : memref<1x1x80x128xi32, #tpu.memory_space<hbm>> -> memref<80x128xi32, #tpu.memory_space<hbm>>
      tpu.wait_dma2 semaphore(%run_scoped3A : memref<!tpu.dma_semaphore, #tpu.memory_space<semaphore_mem>>) src(%dma_wait3A_28 : memref<80x128xi32, #tpu.memory_space<hbm>>) dst(%arg8 : memref<80x128xi32, #tpu.memory_space<vmem>>)
      tpu.yield
    }) : () -> ()
    %barrier3A = arith.constant 0 : index
    tpu.barrier barrier_id(%barrier3A)
    %scan3A = arith.constant 0 : i32
    %scan3A_1 = arith.constant 0 : i32
    %scan3A_2 = arith.constant 80 : i32
    %scan3A_3 = arith.addi %scan3A_1, %scan3A_2 : i32
    %scan3A_4 = arith.constant 1 : i32
    scf.for %scan3A_15 = %scan3A_1 to %scan3A_3 step %scan3A_4  : i32 {
      %dma_start3A = arith.constant 0 : i32
      %dma_start3A_16 = tpu.memref_slice %arg7[%scan3A_15, %dma_start3A] : memref<80x128xi32, #tpu.memory_space<vmem>> -> memref<1x128xi32, #tpu.memory_space<vmem>>
      %dma_start3A_17 = tpu.memref_squeeze %dma_start3A_16 : memref<1x128xi32, #tpu.memory_space<vmem>> -> memref<128xi32, #tpu.memory_space<vmem>>
      %dma_start3A_18 = arith.constant 0 : i32
      %dma_start3A_19 = arith.constant 0 : i32
      %dma_start3A_20 = tpu.memref_slice %arg2[%dma_start3A_18, %dma_start3A_19] : memref<20000x128xf32, #tpu.memory_space<hbm>> -> memref<20000x128xf32, #tpu.memory_space<hbm>>
      tpu.enqueue_indirect_dma source(%dma_start3A_20 : memref<20000x128xf32, #tpu.memory_space<hbm>>) target(%arg9 : memref<128x128xf32, #tpu.memory_space<vmem>>) offsets(%dma_start3A_17 : memref<128xi32, #tpu.memory_space<vmem>>) semaphore(%arg11 : memref<!tpu.dma_semaphore, #tpu.memory_space<semaphore_mem>>)
      %dma_wait3A = arith.constant 0 : i32
      %dma_wait3A_21 = tpu.memref_slice %arg7[%scan3A_15, %dma_wait3A] : memref<80x128xi32, #tpu.memory_space<vmem>> -> memref<1x128xi32, #tpu.memory_space<vmem>>
      %dma_wait3A_22 = tpu.memref_squeeze %dma_wait3A_21 : memref<1x128xi32, #tpu.memory_space<vmem>> -> memref<128xi32, #tpu.memory_space<vmem>>
      %dma_wait3A_23 = arith.constant 0 : i32
      %dma_wait3A_24 = arith.constant 0 : i32
      %dma_wait3A_25 = tpu.memref_slice %arg2[%dma_wait3A_23, %dma_wait3A_24] : memref<20000x128xf32, #tpu.memory_space<hbm>> -> memref<20000x128xf32, #tpu.memory_space<hbm>>
      tpu.wait_indirect_dma semaphore(%arg11 : memref<!tpu.dma_semaphore, #tpu.memory_space<semaphore_mem>>) src(%dma_wait3A_25 : memref<20000x128xf32, #tpu.memory_space<hbm>>) dst(%arg9 : memref<128x128xf32, #tpu.memory_space<vmem>>)
      "tpu.region"() ({
        %run_scoped3A = tpu.sem_alloc : memref<!tpu.dma_semaphore, #tpu.memory_space<semaphore_mem>>
        %dma_start3A_26 = arith.constant 0 : i32
        %dma_start3A_27 = tpu.memref_slice %arg8[%scan3A_15, %dma_start3A_26] : memref<80x128xi32, #tpu.memory_space<vmem>> -> memref<1x128xi32, #tpu.memory_space<vmem>>
        %dma_start3A_28 = tpu.memref_squeeze %dma_start3A_27 : memref<1x128xi32, #tpu.memory_space<vmem>> -> memref<128xi32, #tpu.memory_space<vmem>>
        %dma_start3A_29 = arith.constant 0 : i32
        %dma_start3A_30 = arith.constant 0 : i32
        %dma_start3A_31 = tpu.memref_slice %arg10[%dma_start3A_29, %dma_start3A_30] : memref<10112x128xf32, #tpu.memory_space<vmem_shared>> -> memref<10112x128xf32, #tpu.memory_space<vmem_shared>>
        tpu.enqueue_indirect_dma source(%arg9 : memref<128x128xf32, #tpu.memory_space<vmem>>) target(%dma_start3A_31 : memref<10112x128xf32, #tpu.memory_space<vmem_shared>>) offsets(%dma_start3A_28 : memref<128xi32, #tpu.memory_space<vmem>>) semaphore(%run_scoped3A : memref<!tpu.dma_semaphore, #tpu.memory_space<semaphore_mem>>) {add = true}
        %dma_wait3A_32 = arith.constant 0 : i32
        %dma_wait3A_33 = tpu.memref_slice %arg8[%scan3A_15, %dma_wait3A_32] : memref<80x128xi32, #tpu.memory_space<vmem>> -> memref<1x128xi32, #tpu.memory_space<vmem>>
        %dma_wait3A_34 = tpu.memref_squeeze %dma_wait3A_33 : memref<1x128xi32, #tpu.memory_space<vmem>> -> memref<128xi32, #tpu.memory_space<vmem>>
        %dma_wait3A_35 = arith.constant 0 : i32
        %dma_wait3A_36 = arith.constant 0 : i32
        %dma_wait3A_37 = tpu.memref_slice %arg10[%dma_wait3A_35, %dma_wait3A_36] : memref<10112x128xf32, #tpu.memory_space<vmem_shared>> -> memref<10112x128xf32, #tpu.memory_space<vmem_shared>>
        tpu.wait_indirect_dma semaphore(%run_scoped3A : memref<!tpu.dma_semaphore, #tpu.memory_space<semaphore_mem>>) src(%arg9 : memref<128x128xf32, #tpu.memory_space<vmem>>) dst(%dma_wait3A_37 : memref<10112x128xf32, #tpu.memory_space<vmem_shared>>)
        tpu.yield
      }) : () -> ()
    }
    %scan3A_5 = arith.constant 80 : i32
    %barrier3A_6 = arith.constant 0 : index
    tpu.barrier barrier_id(%barrier3A_6)
    %mul3A_7 = arith.constant 624 : i32
    %mul3A_8 = arith.muli %arg1, %mul3A_7 : i32
    %mul3A_9 = arith.constant 10000 : i32
    %mul3A_10 = arith.muli %arg0, %mul3A_9 : i32
    %mul3A_11 = arith.constant 624 : i32
    %mul3A_12 = arith.muli %arg1, %mul3A_11 : i32
    %add3A = arith.addi %mul3A_10, %mul3A_12 : i32
    "tpu.region"() ({
      %run_scoped3A = tpu.sem_alloc : memref<!tpu.dma_semaphore, #tpu.memory_space<semaphore_mem>>
      %dma_start3A = arith.constant 0 : i32
      %dma_start3A_15 = tpu.memref_slice %arg6[%add3A, %dma_start3A] : memref<20000x128xf32, #tpu.memory_space<hbm>> -> memref<624x128xf32, #tpu.memory_space<hbm>>
      %dma_start3A_16 = arith.constant 0 : i32
      %dma_start3A_17 = tpu.memref_slice %arg10[%mul3A_8, %dma_start3A_16] : memref<10112x128xf32, #tpu.memory_space<vmem_shared>> -> memref<624x128xf32, #tpu.memory_space<vmem_shared>>
      tpu.enqueue_dma source(%dma_start3A_17 : memref<624x128xf32, #tpu.memory_space<vmem_shared>>) target(%dma_start3A_15 : memref<624x128xf32, #tpu.memory_space<hbm>>) target_semaphore(%run_scoped3A : memref<!tpu.dma_semaphore, #tpu.memory_space<semaphore_mem>>)
      %dma_wait3A = arith.constant 0 : i32
      %dma_wait3A_18 = tpu.memref_slice %arg6[%add3A, %dma_wait3A] : memref<20000x128xf32, #tpu.memory_space<hbm>> -> memref<624x128xf32, #tpu.memory_space<hbm>>
      %dma_wait3A_19 = arith.constant 0 : i32
      %dma_wait3A_20 = tpu.memref_slice %arg10[%mul3A_8, %dma_wait3A_19] : memref<10112x128xf32, #tpu.memory_space<vmem_shared>> -> memref<624x128xf32, #tpu.memory_space<vmem_shared>>
      tpu.wait_dma2 semaphore(%run_scoped3A : memref<!tpu.dma_semaphore, #tpu.memory_space<semaphore_mem>>) src(%dma_wait3A_20 : memref<624x128xf32, #tpu.memory_space<vmem_shared>>) dst(%dma_wait3A_18 : memref<624x128xf32, #tpu.memory_space<hbm>>)
      tpu.yield
    }) : () -> ()
    %eq3A = arith.constant 15 : i32
    %eq3A_13 = arith.cmpi eq, %arg1, %eq3A : i32
    %convert_element_type3A = arith.extui %eq3A_13 : i1 to i32
    %cond3A = arith.constant 0 : i32
    %cond3A_14 = arith.cmpi ne, %convert_element_type3A, %cond3A : i32
    scf.if %cond3A_14 {
      %mul3A_15 = arith.constant 10000 : i32
      %mul3A_16 = arith.muli %arg0, %mul3A_15 : i32
      %add3A_17 = arith.constant 9984 : i32
      %add3A_18 = arith.addi %mul3A_16, %add3A_17 : i32
      "tpu.region"() ({
        %run_scoped3A = tpu.sem_alloc : memref<!tpu.dma_semaphore, #tpu.memory_space<semaphore_mem>>
        %dma_start3A = arith.constant 0 : i32
        %dma_start3A_19 = tpu.memref_slice %arg6[%add3A_18, %dma_start3A] : memref<20000x128xf32, #tpu.memory_space<hbm>> -> memref<16x128xf32, #tpu.memory_space<hbm>>
        %dma_start3A_20 = arith.constant 9984 : i32
        %dma_start3A_21 = arith.constant 0 : i32
        %dma_start3A_22 = tpu.memref_slice %arg10[%dma_start3A_20, %dma_start3A_21] : memref<10112x128xf32, #tpu.memory_space<vmem_shared>> -> memref<16x128xf32, #tpu.memory_space<vmem_shared>>
        tpu.enqueue_dma source(%dma_start3A_22 : memref<16x128xf32, #tpu.memory_space<vmem_shared>>) target(%dma_start3A_19 : memref<16x128xf32, #tpu.memory_space<hbm>>) target_semaphore(%run_scoped3A : memref<!tpu.dma_semaphore, #tpu.memory_space<semaphore_mem>>)
        %dma_wait3A = arith.constant 0 : i32
        %dma_wait3A_23 = tpu.memref_slice %arg6[%add3A_18, %dma_wait3A] : memref<20000x128xf32, #tpu.memory_space<hbm>> -> memref<16x128xf32, #tpu.memory_space<hbm>>
        %dma_wait3A_24 = arith.constant 9984 : i32
        %dma_wait3A_25 = arith.constant 0 : i32
        %dma_wait3A_26 = tpu.memref_slice %arg10[%dma_wait3A_24, %dma_wait3A_25] : memref<10112x128xf32, #tpu.memory_space<vmem_shared>> -> memref<16x128xf32, #tpu.memory_space<vmem_shared>>
        tpu.wait_dma2 semaphore(%run_scoped3A : memref<!tpu.dma_semaphore, #tpu.memory_space<semaphore_mem>>) src(%dma_wait3A_26 : memref<16x128xf32, #tpu.memory_space<vmem_shared>>) dst(%dma_wait3A_23 : memref<16x128xf32, #tpu.memory_space<hbm>>)
        tpu.yield
      }) : () -> ()
    } else {
    }
    return
  }
}

#map = affine_map<(d0, d1) -> (0, 0)>
#map1 = affine_map<(d0, d1) -> (0, 0, 0, 0)>
module attributes {stable_mosaic.version = 14 : i64} {
  func.func @_sc_scatter(%arg0: i32, %arg1: i32, %arg2: memref<20000x128xf32, #tpu.memory_space<hbm>>, %arg3: memref<2x16x80x128xi32, #tpu.memory_space<hbm>>, %arg4: memref<2x16x80x128xi32, #tpu.memory_space<hbm>>, %arg5: memref<632x128xf32, #tpu.memory_space<hbm>>, %arg6: memref<20000x128xf32, #tpu.memory_space<hbm>>, %arg7: memref<80x128xi32, #tpu.memory_space<vmem>>, %arg8: memref<80x128xi32, #tpu.memory_space<vmem>>, %arg9: memref<128x128xf32, #tpu.memory_space<vmem>>, %arg10: memref<10112x128xf32, #tpu.memory_space<vmem_shared>>, %arg11: memref<!tpu.dma_semaphore, #tpu.memory_space<semaphore_mem>>) attributes {dimension_semantics = [#tpu.dimension_semantics<core_parallel>, #tpu.dimension_semantics<subcore_parallel>], iteration_bounds = array<i64: 2, 16>, scalar_prefetch = 0 : i64, scratch_operands = 5 : i64, tpu.core_type = #tpu.core_type<sc_vector_subcore>, window_params = [{transform_indices = #map}, {transform_indices = #map1}, {transform_indices = #map1}, {transform_indices = #map}, {transform_indices = #map}]} {
    %mul3A = arith.constant 632 : i32
    %mul3A_0 = arith.muli %arg1, %mul3A : i32
    "tpu.region"() ({
      %run_scoped3A = tpu.sem_alloc : memref<!tpu.dma_semaphore, #tpu.memory_space<semaphore_mem>>
      %dma_start3A = arith.constant 0 : i32
      %dma_start3A_15 = tpu.memref_slice %arg10[%mul3A_0, %dma_start3A] : memref<10112x128xf32, #tpu.memory_space<vmem_shared>> -> memref<632x128xf32, #tpu.memory_space<vmem_shared>>
      %dma_start3A_16 = arith.constant 0 : i32
      %dma_start3A_17 = arith.constant 0 : i32
      %dma_start3A_18 = tpu.memref_slice %arg5[%dma_start3A_16, %dma_start3A_17] : memref<632x128xf32, #tpu.memory_space<hbm>> -> memref<632x128xf32, #tpu.memory_space<hbm>>
      tpu.enqueue_dma source(%dma_start3A_18 : memref<632x128xf32, #tpu.memory_space<hbm>>) target(%dma_start3A_15 : memref<632x128xf32, #tpu.memory_space<vmem_shared>>) target_semaphore(%run_scoped3A : memref<!tpu.dma_semaphore, #tpu.memory_space<semaphore_mem>>)
      %dma_wait3A = arith.constant 0 : i32
      %dma_wait3A_19 = tpu.memref_slice %arg10[%mul3A_0, %dma_wait3A] : memref<10112x128xf32, #tpu.memory_space<vmem_shared>> -> memref<632x128xf32, #tpu.memory_space<vmem_shared>>
      %dma_wait3A_20 = arith.constant 0 : i32
      %dma_wait3A_21 = arith.constant 0 : i32
      %dma_wait3A_22 = tpu.memref_slice %arg5[%dma_wait3A_20, %dma_wait3A_21] : memref<632x128xf32, #tpu.memory_space<hbm>> -> memref<632x128xf32, #tpu.memory_space<hbm>>
      tpu.wait_dma2 semaphore(%run_scoped3A : memref<!tpu.dma_semaphore, #tpu.memory_space<semaphore_mem>>) src(%dma_wait3A_22 : memref<632x128xf32, #tpu.memory_space<hbm>>) dst(%dma_wait3A_19 : memref<632x128xf32, #tpu.memory_space<vmem_shared>>)
      tpu.yield
    }) : () -> ()
    "tpu.region"() ({
      %run_scoped3A = tpu.sem_alloc : memref<!tpu.dma_semaphore, #tpu.memory_space<semaphore_mem>>
      %dma_start3A = arith.constant 0 : i32
      %dma_start3A_15 = arith.constant 0 : i32
      %dma_start3A_16 = tpu.memref_slice %arg3[%arg0, %arg1, %dma_start3A, %dma_start3A_15] : memref<2x16x80x128xi32, #tpu.memory_space<hbm>> -> memref<1x1x80x128xi32, #tpu.memory_space<hbm>>
      %dma_start3A_17 = tpu.memref_squeeze %dma_start3A_16 : memref<1x1x80x128xi32, #tpu.memory_space<hbm>> -> memref<80x128xi32, #tpu.memory_space<hbm>>
      %dma_start3A_18 = arith.constant 0 : i32
      %dma_start3A_19 = arith.constant 0 : i32
      %dma_start3A_20 = tpu.memref_slice %arg3[%arg0, %arg1, %dma_start3A_18, %dma_start3A_19] : memref<2x16x80x128xi32, #tpu.memory_space<hbm>> -> memref<1x1x80x128xi32, #tpu.memory_space<hbm>>
      %dma_start3A_21 = tpu.memref_squeeze %dma_start3A_20 : memref<1x1x80x128xi32, #tpu.memory_space<hbm>> -> memref<80x128xi32, #tpu.memory_space<hbm>>
      tpu.enqueue_dma source(%dma_start3A_21 : memref<80x128xi32, #tpu.memory_space<hbm>>) target(%arg7 : memref<80x128xi32, #tpu.memory_space<vmem>>) target_semaphore(%run_scoped3A : memref<!tpu.dma_semaphore, #tpu.memory_space<semaphore_mem>>)
      %dma_wait3A = arith.constant 0 : i32
      %dma_wait3A_22 = arith.constant 0 : i32
      %dma_wait3A_23 = tpu.memref_slice %arg3[%arg0, %arg1, %dma_wait3A, %dma_wait3A_22] : memref<2x16x80x128xi32, #tpu.memory_space<hbm>> -> memref<1x1x80x128xi32, #tpu.memory_space<hbm>>
      %dma_wait3A_24 = tpu.memref_squeeze %dma_wait3A_23 : memref<1x1x80x128xi32, #tpu.memory_space<hbm>> -> memref<80x128xi32, #tpu.memory_space<hbm>>
      %dma_wait3A_25 = arith.constant 0 : i32
      %dma_wait3A_26 = arith.constant 0 : i32
      %dma_wait3A_27 = tpu.memref_slice %arg3[%arg0, %arg1, %dma_wait3A_25, %dma_wait3A_26] : memref<2x16x80x128xi32, #tpu.memory_space<hbm>> -> memref<1x1x80x128xi32, #tpu.memory_space<hbm>>
      %dma_wait3A_28 = tpu.memref_squeeze %dma_wait3A_27 : memref<1x1x80x128xi32, #tpu.memory_space<hbm>> -> memref<80x128xi32, #tpu.memory_space<hbm>>
      tpu.wait_dma2 semaphore(%run_scoped3A : memref<!tpu.dma_semaphore, #tpu.memory_space<semaphore_mem>>) src(%dma_wait3A_28 : memref<80x128xi32, #tpu.memory_space<hbm>>) dst(%arg7 : memref<80x128xi32, #tpu.memory_space<vmem>>)
      tpu.yield
    }) : () -> ()
    "tpu.region"() ({
      %run_scoped3A = tpu.sem_alloc : memref<!tpu.dma_semaphore, #tpu.memory_space<semaphore_mem>>
      %dma_start3A = arith.constant 0 : i32
      %dma_start3A_15 = arith.constant 0 : i32
      %dma_start3A_16 = tpu.memref_slice %arg4[%arg0, %arg1, %dma_start3A, %dma_start3A_15] : memref<2x16x80x128xi32, #tpu.memory_space<hbm>> -> memref<1x1x80x128xi32, #tpu.memory_space<hbm>>
      %dma_start3A_17 = tpu.memref_squeeze %dma_start3A_16 : memref<1x1x80x128xi32, #tpu.memory_space<hbm>> -> memref<80x128xi32, #tpu.memory_space<hbm>>
      %dma_start3A_18 = arith.constant 0 : i32
      %dma_start3A_19 = arith.constant 0 : i32
      %dma_start3A_20 = tpu.memref_slice %arg4[%arg0, %arg1, %dma_start3A_18, %dma_start3A_19] : memref<2x16x80x128xi32, #tpu.memory_space<hbm>> -> memref<1x1x80x128xi32, #tpu.memory_space<hbm>>
      %dma_start3A_21 = tpu.memref_squeeze %dma_start3A_20 : memref<1x1x80x128xi32, #tpu.memory_space<hbm>> -> memref<80x128xi32, #tpu.memory_space<hbm>>
      tpu.enqueue_dma source(%dma_start3A_21 : memref<80x128xi32, #tpu.memory_space<hbm>>) target(%arg8 : memref<80x128xi32, #tpu.memory_space<vmem>>) target_semaphore(%run_scoped3A : memref<!tpu.dma_semaphore, #tpu.memory_space<semaphore_mem>>)
      %dma_wait3A = arith.constant 0 : i32
      %dma_wait3A_22 = arith.constant 0 : i32
      %dma_wait3A_23 = tpu.memref_slice %arg4[%arg0, %arg1, %dma_wait3A, %dma_wait3A_22] : memref<2x16x80x128xi32, #tpu.memory_space<hbm>> -> memref<1x1x80x128xi32, #tpu.memory_space<hbm>>
      %dma_wait3A_24 = tpu.memref_squeeze %dma_wait3A_23 : memref<1x1x80x128xi32, #tpu.memory_space<hbm>> -> memref<80x128xi32, #tpu.memory_space<hbm>>
      %dma_wait3A_25 = arith.constant 0 : i32
      %dma_wait3A_26 = arith.constant 0 : i32
      %dma_wait3A_27 = tpu.memref_slice %arg4[%arg0, %arg1, %dma_wait3A_25, %dma_wait3A_26] : memref<2x16x80x128xi32, #tpu.memory_space<hbm>> -> memref<1x1x80x128xi32, #tpu.memory_space<hbm>>
      %dma_wait3A_28 = tpu.memref_squeeze %dma_wait3A_27 : memref<1x1x80x128xi32, #tpu.memory_space<hbm>> -> memref<80x128xi32, #tpu.memory_space<hbm>>
      tpu.wait_dma2 semaphore(%run_scoped3A : memref<!tpu.dma_semaphore, #tpu.memory_space<semaphore_mem>>) src(%dma_wait3A_28 : memref<80x128xi32, #tpu.memory_space<hbm>>) dst(%arg8 : memref<80x128xi32, #tpu.memory_space<vmem>>)
      tpu.yield
    }) : () -> ()
    %barrier3A = arith.constant 0 : index
    tpu.barrier barrier_id(%barrier3A)
    %scan3A = arith.constant 0 : i32
    %scan3A_1 = arith.constant 0 : i32
    %scan3A_2 = arith.constant 80 : i32
    %scan3A_3 = arith.addi %scan3A_1, %scan3A_2 : i32
    %scan3A_4 = arith.constant 1 : i32
    scf.for %scan3A_15 = %scan3A_1 to %scan3A_3 step %scan3A_4  : i32 {
      %dma_start3A = arith.constant 0 : i32
      %dma_start3A_16 = tpu.memref_slice %arg7[%scan3A_15, %dma_start3A] : memref<80x128xi32, #tpu.memory_space<vmem>> -> memref<1x128xi32, #tpu.memory_space<vmem>>
      %dma_start3A_17 = tpu.memref_squeeze %dma_start3A_16 : memref<1x128xi32, #tpu.memory_space<vmem>> -> memref<128xi32, #tpu.memory_space<vmem>>
      %dma_start3A_18 = arith.constant 0 : i32
      %dma_start3A_19 = arith.constant 0 : i32
      %dma_start3A_20 = tpu.memref_slice %arg2[%dma_start3A_18, %dma_start3A_19] : memref<20000x128xf32, #tpu.memory_space<hbm>> -> memref<20000x128xf32, #tpu.memory_space<hbm>>
      tpu.enqueue_indirect_dma source(%dma_start3A_20 : memref<20000x128xf32, #tpu.memory_space<hbm>>) target(%arg9 : memref<128x128xf32, #tpu.memory_space<vmem>>) offsets(%dma_start3A_17 : memref<128xi32, #tpu.memory_space<vmem>>) semaphore(%arg11 : memref<!tpu.dma_semaphore, #tpu.memory_space<semaphore_mem>>)
      %dma_wait3A = arith.constant 0 : i32
      %dma_wait3A_21 = tpu.memref_slice %arg7[%scan3A_15, %dma_wait3A] : memref<80x128xi32, #tpu.memory_space<vmem>> -> memref<1x128xi32, #tpu.memory_space<vmem>>
      %dma_wait3A_22 = tpu.memref_squeeze %dma_wait3A_21 : memref<1x128xi32, #tpu.memory_space<vmem>> -> memref<128xi32, #tpu.memory_space<vmem>>
      %dma_wait3A_23 = arith.constant 0 : i32
      %dma_wait3A_24 = arith.constant 0 : i32
      %dma_wait3A_25 = tpu.memref_slice %arg2[%dma_wait3A_23, %dma_wait3A_24] : memref<20000x128xf32, #tpu.memory_space<hbm>> -> memref<20000x128xf32, #tpu.memory_space<hbm>>
      tpu.wait_indirect_dma semaphore(%arg11 : memref<!tpu.dma_semaphore, #tpu.memory_space<semaphore_mem>>) src(%dma_wait3A_25 : memref<20000x128xf32, #tpu.memory_space<hbm>>) dst(%arg9 : memref<128x128xf32, #tpu.memory_space<vmem>>)
      "tpu.region"() ({
        %run_scoped3A = tpu.sem_alloc : memref<!tpu.dma_semaphore, #tpu.memory_space<semaphore_mem>>
        %dma_start3A_26 = arith.constant 0 : i32
        %dma_start3A_27 = tpu.memref_slice %arg8[%scan3A_15, %dma_start3A_26] : memref<80x128xi32, #tpu.memory_space<vmem>> -> memref<1x128xi32, #tpu.memory_space<vmem>>
        %dma_start3A_28 = tpu.memref_squeeze %dma_start3A_27 : memref<1x128xi32, #tpu.memory_space<vmem>> -> memref<128xi32, #tpu.memory_space<vmem>>
        %dma_start3A_29 = arith.constant 0 : i32
        %dma_start3A_30 = arith.constant 0 : i32
        %dma_start3A_31 = tpu.memref_slice %arg10[%dma_start3A_29, %dma_start3A_30] : memref<10112x128xf32, #tpu.memory_space<vmem_shared>> -> memref<10112x128xf32, #tpu.memory_space<vmem_shared>>
        tpu.enqueue_indirect_dma source(%arg9 : memref<128x128xf32, #tpu.memory_space<vmem>>) target(%dma_start3A_31 : memref<10112x128xf32, #tpu.memory_space<vmem_shared>>) offsets(%dma_start3A_28 : memref<128xi32, #tpu.memory_space<vmem>>) semaphore(%run_scoped3A : memref<!tpu.dma_semaphore, #tpu.memory_space<semaphore_mem>>) {add = true}
        %dma_wait3A_32 = arith.constant 0 : i32
        %dma_wait3A_33 = tpu.memref_slice %arg8[%scan3A_15, %dma_wait3A_32] : memref<80x128xi32, #tpu.memory_space<vmem>> -> memref<1x128xi32, #tpu.memory_space<vmem>>
        %dma_wait3A_34 = tpu.memref_squeeze %dma_wait3A_33 : memref<1x128xi32, #tpu.memory_space<vmem>> -> memref<128xi32, #tpu.memory_space<vmem>>
        %dma_wait3A_35 = arith.constant 0 : i32
        %dma_wait3A_36 = arith.constant 0 : i32
        %dma_wait3A_37 = tpu.memref_slice %arg10[%dma_wait3A_35, %dma_wait3A_36] : memref<10112x128xf32, #tpu.memory_space<vmem_shared>> -> memref<10112x128xf32, #tpu.memory_space<vmem_shared>>
        tpu.wait_indirect_dma semaphore(%run_scoped3A : memref<!tpu.dma_semaphore, #tpu.memory_space<semaphore_mem>>) src(%arg9 : memref<128x128xf32, #tpu.memory_space<vmem>>) dst(%dma_wait3A_37 : memref<10112x128xf32, #tpu.memory_space<vmem_shared>>)
        tpu.yield
      }) : () -> ()
    }
    %scan3A_5 = arith.constant 80 : i32
    %barrier3A_6 = arith.constant 0 : index
    tpu.barrier barrier_id(%barrier3A_6)
    %mul3A_7 = arith.constant 624 : i32
    %mul3A_8 = arith.muli %arg1, %mul3A_7 : i32
    %mul3A_9 = arith.constant 10000 : i32
    %mul3A_10 = arith.muli %arg0, %mul3A_9 : i32
    %mul3A_11 = arith.constant 624 : i32
    %mul3A_12 = arith.muli %arg1, %mul3A_11 : i32
    %add3A = arith.addi %mul3A_10, %mul3A_12 : i32
    "tpu.region"() ({
      %run_scoped3A = tpu.sem_alloc : memref<!tpu.dma_semaphore, #tpu.memory_space<semaphore_mem>>
      %dma_start3A = arith.constant 0 : i32
      %dma_start3A_15 = tpu.memref_slice %arg6[%add3A, %dma_start3A] : memref<20000x128xf32, #tpu.memory_space<hbm>> -> memref<624x128xf32, #tpu.memory_space<hbm>>
      %dma_start3A_16 = arith.constant 0 : i32
      %dma_start3A_17 = tpu.memref_slice %arg10[%mul3A_8, %dma_start3A_16] : memref<10112x128xf32, #tpu.memory_space<vmem_shared>> -> memref<624x128xf32, #tpu.memory_space<vmem_shared>>
      tpu.enqueue_dma source(%dma_start3A_17 : memref<624x128xf32, #tpu.memory_space<vmem_shared>>) target(%dma_start3A_15 : memref<624x128xf32, #tpu.memory_space<hbm>>) target_semaphore(%run_scoped3A : memref<!tpu.dma_semaphore, #tpu.memory_space<semaphore_mem>>)
      %dma_wait3A = arith.constant 0 : i32
      %dma_wait3A_18 = tpu.memref_slice %arg6[%add3A, %dma_wait3A] : memref<20000x128xf32, #tpu.memory_space<hbm>> -> memref<624x128xf32, #tpu.memory_space<hbm>>
      %dma_wait3A_19 = arith.constant 0 : i32
      %dma_wait3A_20 = tpu.memref_slice %arg10[%mul3A_8, %dma_wait3A_19] : memref<10112x128xf32, #tpu.memory_space<vmem_shared>> -> memref<624x128xf32, #tpu.memory_space<vmem_shared>>
      tpu.wait_dma2 semaphore(%run_scoped3A : memref<!tpu.dma_semaphore, #tpu.memory_space<semaphore_mem>>) src(%dma_wait3A_20 : memref<624x128xf32, #tpu.memory_space<vmem_shared>>) dst(%dma_wait3A_18 : memref<624x128xf32, #tpu.memory_space<hbm>>)
      tpu.yield
    }) : () -> ()
    %eq3A = arith.constant 15 : i32
    %eq3A_13 = arith.cmpi eq, %arg1, %eq3A : i32
    %convert_element_type3A = arith.extui %eq3A_13 : i1 to i32
    %cond3A = arith.constant 0 : i32
    %cond3A_14 = arith.cmpi ne, %convert_element_type3A, %cond3A : i32
    scf.if %cond3A_14 {
      %mul3A_15 = arith.constant 10000 : i32
      %mul3A_16 = arith.muli %arg0, %mul3A_15 : i32
      %add3A_17 = arith.constant 9984 : i32
      %add3A_18 = arith.addi %mul3A_16, %add3A_17 : i32
      "tpu.region"() ({
        %run_scoped3A = tpu.sem_alloc : memref<!tpu.dma_semaphore, #tpu.memory_space<semaphore_mem>>
        %dma_start3A = arith.constant 0 : i32
        %dma_start3A_19 = tpu.memref_slice %arg6[%add3A_18, %dma_start3A] : memref<20000x128xf32, #tpu.memory_space<hbm>> -> memref<16x128xf32, #tpu.memory_space<hbm>>
        %dma_start3A_20 = arith.constant 9984 : i32
        %dma_start3A_21 = arith.constant 0 : i32
        %dma_start3A_22 = tpu.memref_slice %arg10[%dma_start3A_20, %dma_start3A_21] : memref<10112x128xf32, #tpu.memory_space<vmem_shared>> -> memref<16x128xf32, #tpu.memory_space<vmem_shared>>
        tpu.enqueue_dma source(%dma_start3A_22 : memref<16x128xf32, #tpu.memory_space<vmem_shared>>) target(%dma_start3A_19 : memref<16x128xf32, #tpu.memory_space<hbm>>) target_semaphore(%run_scoped3A : memref<!tpu.dma_semaphore, #tpu.memory_space<semaphore_mem>>)
        %dma_wait3A = arith.constant 0 : i32
        %dma_wait3A_23 = tpu.memref_slice %arg6[%add3A_18, %dma_wait3A] : memref<20000x128xf32, #tpu.memory_space<hbm>> -> memref<16x128xf32, #tpu.memory_space<hbm>>
        %dma_wait3A_24 = arith.constant 9984 : i32
        %dma_wait3A_25 = arith.constant 0 : i32
        %dma_wait3A_26 = tpu.memref_slice %arg10[%dma_wait3A_24, %dma_wait3A_25] : memref<10112x128xf32, #tpu.memory_space<vmem_shared>> -> memref<16x128xf32, #tpu.memory_space<vmem_shared>>
        tpu.wait_dma2 semaphore(%run_scoped3A : memref<!tpu.dma_semaphore, #tpu.memory_space<semaphore_mem>>) src(%dma_wait3A_26 : memref<16x128xf32, #tpu.memory_space<vmem_shared>>) dst(%dma_wait3A_23 : memref<16x128xf32, #tpu.memory_space<hbm>>)
        tpu.yield
      }) : () -> ()
    } else {
    }
    return
  }
}

module attributes {stable_mosaic.version = 14 : i64} {
  func.func @_tc_prep_body(%arg0: i32, %arg1: memref<2000x128xf32, #tpu.memory_space<vmem>>, %arg2: memref<2000x128xf32, #tpu.memory_space<vmem>>, %arg3: memref<128x128xf32, #tpu.memory_space<vmem>>, %arg4: memref<2000x1xf32, #tpu.memory_space<vmem>>, %arg5: memref<2000x128xf32, #tpu.memory_space<vmem>>) attributes {dimension_semantics = [#tpu.dimension_semantics<arbitrary>], iteration_bounds = array<i64: 10>, scalar_prefetch = 0 : i64, scratch_operands = 0 : i64, tpu.core_type = #tpu.core_type<tc>, window_params = [{transform_indices = @transform_0, window_bounds = array<i64: 2000, 128>}, {transform_indices = @transform_1, window_bounds = array<i64: 2000, 128>}, {pipeline_mode = #tpu.pipeline_mode<synchronous>, transform_indices = @transform_2, window_bounds = array<i64: 128, 128>}, {transform_indices = @transform_3, window_bounds = array<i64: 2000, 1>}, {transform_indices = @transform_4, window_bounds = array<i64: 2000, 128>}]} {
    %get3A = arith.constant 0 : index
    %get3A_0 = arith.constant 0 : index
    %get3A_1 = vector.load %arg1[%get3A, %get3A_0] : memref<2000x128xf32, #tpu.memory_space<vmem>>, vector<2000x1xf32>
    %gt3A = arith.constant 0.000000e+00 : f32
    %gt3A_2 = vector.broadcast %gt3A : f32 to vector<2000x1xf32>
    %gt3A_3 = arith.cmpf ogt, %get3A_1, %gt3A_2 : vector<2000x1xf32>
    %rsqrt3A = math.rsqrt %get3A_1 : vector<2000x1xf32>
    %jit3A = arith.constant 0.000000e+00 : f32
    %broadcast_in_dim3A = vector.broadcast %jit3A : f32 to vector<2000x1xf32>
    %select_n3A = arith.select %gt3A_3, %rsqrt3A, %broadcast_in_dim3A : vector<2000x1xi1>, vector<2000x1xf32>
    %swap3A = arith.constant 0 : index
    %swap3A_4 = arith.constant 0 : index
    %swap3A_5 = vector.load %arg4[%swap3A, %swap3A_4] : memref<2000x1xf32, #tpu.memory_space<vmem>>, vector<2000x1xf32>
    tpu.vector_store %arg4[%swap3A, %swap3A_4], %select_n3A {strides = array<i32>} : memref<2000x1xf32, #tpu.memory_space<vmem>>, vector<2000x1xf32>,
    %get3A_6 = arith.constant 0 : index
    %get3A_7 = arith.constant 0 : index
    %get3A_8 = vector.load %arg2[%get3A_6, %get3A_7] : memref<2000x128xf32, #tpu.memory_space<vmem>>, vector<2000x128xf32>
    %mul3A = vector.broadcast %select_n3A : vector<2000x1xf32> to vector<2000x128xf32>
    %mul3A_9 = arith.mulf %mul3A, %get3A_8 : vector<2000x128xf32>
    %get3A_10 = arith.constant 0 : index
    %get3A_11 = arith.constant 0 : index
    %get3A_12 = vector.load %arg3[%get3A_10, %get3A_11] : memref<128x128xf32, #tpu.memory_space<vmem>>, vector<128x128xf32>
    %dot_general3A = arith.constant dense<0.000000e+00> : vector<2000x128xf32>
    %dot_general3A_13 = tpu.matmul %mul3A_9, %get3A_12, %dot_general3A {dimension_numbers = #tpu.dot_dimension_numbers<[1], [0], [0], [1], [0, 0, 1, 1], [], []>, transpose_lhs_hint = false} : vector<2000x128xf32>, vector<128x128xf32>, vector<2000x128xf32> -> vector<2000x128xf32>
    %swap3A_14 = arith.constant 0 : index
    %swap3A_15 = arith.constant 0 : index
    %swap3A_16 = vector.load %arg5[%swap3A_14, %swap3A_15] : memref<2000x128xf32, #tpu.memory_space<vmem>>, vector<2000x128xf32>
    tpu.vector_store %arg5[%swap3A_14, %swap3A_15], %dot_general3A_13 {strides = array<i32>} : memref<2000x128xf32, #tpu.memory_space<vmem>>, vector<2000x128xf32>,
    return
  }
  func.func @transform_0(%arg0: i32) -> (i32, i32) {
    %c0_i32 = arith.constant 0 : i32
    %c0_i32_0 = arith.constant 0 : i32
    return %arg0, %c0_i32 : i32, i32
  }
  func.func @transform_1(%arg0: i32) -> (i32, i32) {
    %c0_i32 = arith.constant 0 : i32
    %c0_i32_0 = arith.constant 0 : i32
    return %arg0, %c0_i32 : i32, i32
  }
  func.func @transform_2(%arg0: i32) -> (i32, i32) {
    %c0_i32 = arith.constant 0 : i32
    %c0_i32_0 = arith.constant 0 : i32
    %c0_i32_1 = arith.constant 0 : i32
    return %c0_i32, %c0_i32_0 : i32, i32
  }
  func.func @transform_3(%arg0: i32) -> (i32, i32) {
    %c0_i32 = arith.constant 0 : i32
    %c0_i32_0 = arith.constant 0 : i32
    return %arg0, %c0_i32 : i32, i32
  }
  func.func @transform_4(%arg0: i32) -> (i32, i32) {
    %c0_i32 = arith.constant 0 : i32
    %c0_i32_0 = arith.constant 0 : i32
    return %arg0, %c0_i32 : i32, i32
  }
}

module attributes {stable_mosaic.version = 14 : i64} {
  func.func @_tc_mid_body(%arg0: i32, %arg1: memref<2000x128xf32, #tpu.memory_space<vmem>>, %arg2: memref<2000x1xf32, #tpu.memory_space<vmem>>, %arg3: memref<2x128xf32, #tpu.memory_space<vmem>>, %arg4: memref<128x128xf32, #tpu.memory_space<vmem>>, %arg5: memref<2000x128xf32, #tpu.memory_space<vmem>>) attributes {dimension_semantics = [#tpu.dimension_semantics<arbitrary>], iteration_bounds = array<i64: 10>, scalar_prefetch = 0 : i64, scratch_operands = 0 : i64, tpu.core_type = #tpu.core_type<tc>, window_params = [{transform_indices = @transform_0, window_bounds = array<i64: 2000, 128>}, {transform_indices = @transform_1, window_bounds = array<i64: 2000, 1>}, {pipeline_mode = #tpu.pipeline_mode<synchronous>, transform_indices = @transform_2, window_bounds = array<i64: 2, 128>}, {pipeline_mode = #tpu.pipeline_mode<synchronous>, transform_indices = @transform_3, window_bounds = array<i64: 128, 128>}, {transform_indices = @transform_4, window_bounds = array<i64: 2000, 128>}]} {
    %get3A = arith.constant 0 : index
    %get3A_0 = arith.constant 0 : index
    %get3A_1 = vector.load %arg2[%get3A, %get3A_0] : memref<2000x1xf32, #tpu.memory_space<vmem>>, vector<2000x1xf32>
    %get3A_2 = arith.constant 0 : index
    %get3A_3 = arith.constant 0 : index
    %get3A_4 = vector.load %arg3[%get3A_2, %get3A_3] : memref<2x128xf32, #tpu.memory_space<vmem>>, vector<1x128xf32>
    %get3A_5 = arith.constant 0 : index
    %get3A_6 = arith.constant 0 : index
    %get3A_7 = vector.load %arg1[%get3A_5, %get3A_6] : memref<2000x128xf32, #tpu.memory_space<vmem>>, vector<2000x128xf32>
    %mul3A = vector.broadcast %get3A_1 : vector<2000x1xf32> to vector<2000x128xf32>
    %mul3A_8 = arith.mulf %mul3A, %get3A_7 : vector<2000x128xf32>
    %mul3A_9 = vector.broadcast %get3A_4 : vector<1x128xf32> to vector<2000x128xf32>
    %mul3A_10 = arith.mulf %mul3A_9, %mul3A_8 : vector<2000x128xf32>
    %get3A_11 = arith.constant 1 : index
    %get3A_12 = arith.constant 0 : index
    %get3A_13 = vector.load %arg3[%get3A_11, %get3A_12] : memref<2x128xf32, #tpu.memory_space<vmem>>, vector<1x128xf32>
    %add3A = vector.broadcast %get3A_13 : vector<1x128xf32> to vector<2000x128xf32>
    %add3A_14 = arith.addf %mul3A_10, %add3A : vector<2000x128xf32>
    %max3A = arith.constant 0.000000e+00 : f32
    %max3A_15 = vector.broadcast %max3A : f32 to vector<2000x128xf32>
    %max3A_16 = arith.maximumf %add3A_14, %max3A_15 : vector<2000x128xf32>
    %mul3A_17 = vector.broadcast %get3A_1 : vector<2000x1xf32> to vector<2000x128xf32>
    %mul3A_18 = arith.mulf %mul3A_17, %max3A_16 : vector<2000x128xf32>
    %get3A_19 = arith.constant 0 : index
    %get3A_20 = arith.constant 0 : index
    %get3A_21 = vector.load %arg4[%get3A_19, %get3A_20] : memref<128x128xf32, #tpu.memory_space<vmem>>, vector<128x128xf32>
    %dot_general3A = arith.constant dense<0.000000e+00> : vector<2000x128xf32>
    %dot_general3A_22 = tpu.matmul %mul3A_18, %get3A_21, %dot_general3A {dimension_numbers = #tpu.dot_dimension_numbers<[1], [0], [0], [1], [0, 0, 1, 1], [], []>, transpose_lhs_hint = false} : vector<2000x128xf32>, vector<128x128xf32>, vector<2000x128xf32> -> vector<2000x128xf32>
    %swap3A = arith.constant 0 : index
    %swap3A_23 = arith.constant 0 : index
    %swap3A_24 = vector.load %arg5[%swap3A, %swap3A_23] : memref<2000x128xf32, #tpu.memory_space<vmem>>, vector<2000x128xf32>
    tpu.vector_store %arg5[%swap3A, %swap3A_23], %dot_general3A_22 {strides = array<i32>} : memref<2000x128xf32, #tpu.memory_space<vmem>>, vector<2000x128xf32>,
    return
  }
  func.func @transform_0(%arg0: i32) -> (i32, i32) {
    %c0_i32 = arith.constant 0 : i32
    %c0_i32_0 = arith.constant 0 : i32
    return %arg0, %c0_i32 : i32, i32
  }
  func.func @transform_1(%arg0: i32) -> (i32, i32) {
    %c0_i32 = arith.constant 0 : i32
    %c0_i32_0 = arith.constant 0 : i32
    return %arg0, %c0_i32 : i32, i32
  }
  func.func @transform_2(%arg0: i32) -> (i32, i32) {
    %c0_i32 = arith.constant 0 : i32
    %c0_i32_0 = arith.constant 0 : i32
    %c0_i32_1 = arith.constant 0 : i32
    return %c0_i32, %c0_i32_0 : i32, i32
  }
  func.func @transform_3(%arg0: i32) -> (i32, i32) {
    %c0_i32 = arith.constant 0 : i32
    %c0_i32_0 = arith.constant 0 : i32
    %c0_i32_1 = arith.constant 0 : i32
    return %c0_i32, %c0_i32_0 : i32, i32
  }
  func.func @transform_4(%arg0: i32) -> (i32, i32) {
    %c0_i32 = arith.constant 0 : i32
    %c0_i32_0 = arith.constant 0 : i32
    return %arg0, %c0_i32 : i32, i32
  }
}

module attributes {stable_mosaic.version = 14 : i64} {
  func.func @_tc_fin_body(%arg0: i32, %arg1: memref<2000x128xf32, #tpu.memory_space<vmem>>, %arg2: memref<2000x1xf32, #tpu.memory_space<vmem>>, %arg3: memref<2x128xf32, #tpu.memory_space<vmem>>, %arg4: memref<2000x128xf32, #tpu.memory_space<vmem>>) attributes {dimension_semantics = [#tpu.dimension_semantics<arbitrary>], iteration_bounds = array<i64: 10>, scalar_prefetch = 0 : i64, scratch_operands = 0 : i64, tpu.core_type = #tpu.core_type<tc>, window_params = [{transform_indices = @transform_0, window_bounds = array<i64: 2000, 128>}, {transform_indices = @transform_1, window_bounds = array<i64: 2000, 1>}, {pipeline_mode = #tpu.pipeline_mode<synchronous>, transform_indices = @transform_2, window_bounds = array<i64: 2, 128>}, {transform_indices = @transform_3, window_bounds = array<i64: 2000, 128>}]} {
    %get3A = arith.constant 0 : index
    %get3A_0 = arith.constant 0 : index
    %get3A_1 = vector.load %arg2[%get3A, %get3A_0] : memref<2000x1xf32, #tpu.memory_space<vmem>>, vector<2000x1xf32>
    %get3A_2 = arith.constant 0 : index
    %get3A_3 = arith.constant 0 : index
    %get3A_4 = vector.load %arg3[%get3A_2, %get3A_3] : memref<2x128xf32, #tpu.memory_space<vmem>>, vector<1x128xf32>
    %get3A_5 = arith.constant 0 : index
    %get3A_6 = arith.constant 0 : index
    %get3A_7 = vector.load %arg1[%get3A_5, %get3A_6] : memref<2000x128xf32, #tpu.memory_space<vmem>>, vector<2000x128xf32>
    %mul3A = vector.broadcast %get3A_1 : vector<2000x1xf32> to vector<2000x128xf32>
    %mul3A_8 = arith.mulf %mul3A, %get3A_7 : vector<2000x128xf32>
    %mul3A_9 = vector.broadcast %get3A_4 : vector<1x128xf32> to vector<2000x128xf32>
    %mul3A_10 = arith.mulf %mul3A_9, %mul3A_8 : vector<2000x128xf32>
    %get3A_11 = arith.constant 1 : index
    %get3A_12 = arith.constant 0 : index
    %get3A_13 = vector.load %arg3[%get3A_11, %get3A_12] : memref<2x128xf32, #tpu.memory_space<vmem>>, vector<1x128xf32>
    %add3A = vector.broadcast %get3A_13 : vector<1x128xf32> to vector<2000x128xf32>
    %add3A_14 = arith.addf %mul3A_10, %add3A : vector<2000x128xf32>
    %max3A = arith.constant 0.000000e+00 : f32
    %max3A_15 = vector.broadcast %max3A : f32 to vector<2000x128xf32>
    %max3A_16 = arith.maximumf %add3A_14, %max3A_15 : vector<2000x128xf32>
    %swap3A = arith.constant 0 : index
    %swap3A_17 = arith.constant 0 : index
    %swap3A_18 = vector.load %arg4[%swap3A, %swap3A_17] : memref<2000x128xf32, #tpu.memory_space<vmem>>, vector<2000x128xf32>
    tpu.vector_store %arg4[%swap3A, %swap3A_17], %max3A_16 {strides = array<i32>} : memref<2000x128xf32, #tpu.memory_space<vmem>>, vector<2000x128xf32>,
    return
  }
  func.func @transform_0(%arg0: i32) -> (i32, i32) {
    %c0_i32 = arith.constant 0 : i32
    %c0_i32_0 = arith.constant 0 : i32
    return %arg0, %c0_i32 : i32, i32
  }
  func.func @transform_1(%arg0: i32) -> (i32, i32) {
    %c0_i32 = arith.constant 0 : i32
    %c0_i32_0 = arith.constant 0 : i32
    return %arg0, %c0_i32 : i32, i32
  }
  func.func @transform_2(%arg0: i32) -> (i32, i32) {
    %c0_i32 = arith.constant 0 : i32
    %c0_i32_0 = arith.constant 0 : i32
    %c0_i32_1 = arith.constant 0 : i32
    return %c0_i32, %c0_i32_0 : i32, i32
  }
  func.func @transform_3(%arg0: i32) -> (i32, i32) {
    %c0_i32 = arith.constant 0 : i32
    %c0_i32_0 = arith.constant 0 : i32
    return %arg0, %c0_i32 : i32, i32
  }
}

</mosaic_0001>

<sc_bundles>
// kernel: kernel.10.cloned.1.call-start
scs
__scs_entry_jumppad:
0x0: {  	(pc) =	sbr.rel $0x88, $3  }
0x1: {  	(tag) =	ssettag $0x0;
	lr =	simm.s32 $0x1  }
0x2: {  	[smem:$0x3F91] =	sst lr;
	_ =	strace $0xD0000000  }
0x3: {  	_ = 	snop  }
0x4: {  	_ = 	snop  }
0x5: {  	_ = 	snop  }
0x6: {  	_ = 	snop  }
0x7: {  	_ = 	snop  }
__scs_overlays_trampoline_lowered:
0x8: {  	[smem:$0x3FA0] =	sst s0  }
0x9: {  	[smem:$0x3FA1] =	sst s1  }
0xa: {  	[smem:$0x3FA2] =	sst s2  }
0xb: {  	[smem:$0x3FA3] =	sst s3  }
0xc: {  	[smem:$0x3FA4] =	sst s4  }
0xd: {  	[smem:$0x3FA5] =	sst s5  }
0xe: {  	[smem:$0x3FA6] =	sst s6  }
0xf: {  	[smem:$0x3FA7] =	sst s7  }
0x10: {  	[smem:$0x3FA8] =	sst s8  }
0x11: {  	[smem:$0x3FA9] =	sst s9;
	s0 =	simm.s32 @!p0 $0x0  }
0x12: {  	s1 =	sld [smem:$0x3F8F];
	s0 =	simm.s32 @p0 $0x1  }
0x13: {  	[smem:$0x3FAA] =	sst s0;
	s0 =	simm.s32 @!p1 $0x0  }
0x14: {  	s2 =	sld [smem:$0x3F8E];
	s0 =	simm.s32 @p1 $0x1  }
0x15: {  	[smem:$0x3FAB] =	sst s0;
	s0 =	simm.s32 @!p2 $0x0  }
0x16: {  	s3 =	sld [smem:$0x3FDB];
	s0 =	simm.s32 @p2 $0x1  }
0x17: {  	s4 =	simm.s32 $0x1BF5;
	[smem:$0x3FAD] =	sst s0  }
0x18: {  	s0 =	sld [smem:$0x3F90];
	_ =	swait.ge [sflag:s4], $0x0  }
0x19: {  	s7 =	sld [smem:$0x3F91]  }
0x1a: {  	s8 =	sadd.s32 $0xFFFFE003, lr  }
0x1b: {  	s9 =	sadd.s32 $0xFFFFFEF7, lr;
	s5 =	simm.s32 $0xFFFFFFFF;
	p2 =	slt.u32 s8, $0xFFFFF086  }
0x1c: {  	p1 =	slt.u32 s9, $0xF7A;
	s5 =	simm.s32 @!p2 $0x0  }
0x1d: {  	s5 =	simm.s32 @p1 $0x1;
	p0 =	seq.s32 s7, s2  }
0x1e: {  	s7 =	smul.u32 @!p0 $0xF7A, s2;
	p2 =	seq.s32 @!p0 s5, $0x0  }
0x1f: {  	s9 =	smul.u32 $0xF7A, s1;
	s8 =	simm.s32 @!p0 $0x1BF5;
	p2 =	por !p2, p0  }
0x20: {  	[sflag:s8] =	ssyncset.s32 @!p0 $0xFFFFF086;
	s6 =	sadd.s32 @!p0 s3, s7;
	s7 =	simm.s32 @!p0 $0x108  }
0x21: {  	s3 =	sadd.s32 s3, s9;
	s6 =	sadd.s32 @!p0 $0x88, s6;
	s7 =	simm.s32 @p2 $0x1082  }
0x22: {  	[simem:s7], [sflag:s8] =	dma.local @!p0 [hbm:s6], $0xF7A  }
0x23: {  	s9 =	sor.u32 $0xD0000000, s2;
	s6 =	simm.s32 $0x108;
	_ =	swait.ge @!p0 [sflag:s8], $0x0  }
0x24: {  	s3 =	sadd.s32 $0x88, s3;
	s6 =	simm.s32 @!p1 $0x1082;
	[sflag:s4] =	ssyncset.s32 $0xFFFFF086  }
0x25: {  	[simem:s6], [sflag:s4] =	dma.local [hbm:s3], $0xF7A  }
0x26: {  	[smem:$0x3F91] =	sst s1;
	(tag) =	ssettag s2;
	_ =	strace s9  }
0x27: {  	s1 =	sld [smem:$0x3FA1]  }
0x28: {  	s2 =	sld [smem:$0x3FA2]  }
0x29: {  	s4 =	sld [smem:$0x3FA4]  }
0x2a: {  	p0 =	seq.s32 s5, $0x0;
	s5 =	sld [smem:$0x3FA5]  }
0x2b: {  	s6 =	sld [smem:$0x3FA6]  }
0x2c: {  	s7 =	sld [smem:$0x3FA7]  }
0x2d: {  	s3 =	simm.s32 $0x108;
	s8 =	sld [smem:$0x3FA8]  }
0x2e: {  	s3 =	simm.s32 @!p0 $0x1082;
	s9 =	sld [smem:$0x3FA9]  }
0x2f: {  	lr =	sadd.s32 s0, s3;
	s0 =	sld [smem:$0x3FA0]  }
0x30: {  	s3 =	sld [smem:$0x3FA3]  }
0x31: {  	[smem:$0x3FAC] =	sst s10  }
0x32: {  	s10 =	sld [smem:$0x3FAA];
	_ =	sdelay $0x3  }
0x33: {  	p0 =	seq.s32 s10, $0x1;
	s10 =	sld [smem:$0x3FAC];
	_ =	sdelay $0x3  }
0x34: {  	[smem:$0x3FAC] =	sst s10  }
0x35: {  	s10 =	sld [smem:$0x3FAB];
	_ =	sdelay $0x3  }
0x36: {  	p1 =	seq.s32 s10, $0x1;
	s10 =	sld [smem:$0x3FAC];
	_ =	sdelay $0x3  }
0x37: {  	[smem:$0x3FAC] =	sst s10  }
0x38: {  	s10 =	sld [smem:$0x3FAD]  }
0x39: {  	_ = 	snop;
	(pc) =	sbr.ind lr, $3  }
0x3a: {  	_ = 	snop  }
0x3b: {  	_ = 	snop  }
0x3c: {  	p2 =	seq.s32 s10, $0x1;
	s10 =	sld [smem:$0x3FAC]  }
0x3d: {  	_ =	shalt  }
0x3e: {  	_ =	shalt  }
0x3f: {  	_ =	shalt  }
0x40: {  	_ =	shalt  }
0x41: {  	_ =	shalt  }
0x42: {  	_ =	shalt  }
0x43: {  	_ =	shalt  }
0x44: {  	_ =	shalt  }
0x45: {  	_ =	shalt  }
0x46: {  	_ =	shalt  }
0x47: {  	_ =	shalt  }
0x48: {  	_ =	shalt  }
0x49: {  	_ =	shalt  }
0x4a: {  	_ =	shalt  }
0x4b: {  	_ =	shalt  }
0x4c: {  	_ =	shalt  }
0x4d: {  	_ =	shalt  }
0x4e: {  	_ =	shalt  }
0x4f: {  	_ =	shalt  }
0x50: {  	_ =	shalt  }
0x51: {  	_ =	shalt  }
0x52: {  	_ =	shalt  }
0x53: {  	_ =	shalt  }
0x54: {  	_ =	shalt  }
0x55: {  	_ =	shalt  }
0x56: {  	_ =	shalt  }
0x57: {  	_ =	shalt  }
0x58: {  	_ =	shalt  }
0x59: {  	_ =	shalt  }
0x5a: {  	_ =	shalt  }
0x5b: {  	_ =	shalt  }
0x5c: {  	_ =	shalt  }
0x5d: {  	_ =	shalt  }
0x5e: {  	_ =	shalt  }
0x5f: {  	_ =	shalt  }
0x60: {  	_ =	shalt  }
0x61: {  	_ =	shalt  }
0x62: {  	_ =	shalt  }
0x63: {  	_ =	shalt  }
0x64: {  	_ =	shalt  }
0x65: {  	_ =	shalt  }
0x66: {  	_ =	shalt  }
0x67: {  	_ =	shalt  }
0x68: {  	_ =	shalt  }
0x69: {  	_ =	shalt  }
0x6a: {  	_ =	shalt  }
0x6b: {  	_ =	shalt  }
0x6c: {  	_ =	shalt  }
0x6d: {  	_ =	shalt  }
0x6e: {  	_ =	shalt  }
0x6f: {  	_ =	shalt  }
0x70: {  	_ =	shalt  }
0x71: {  	_ =	shalt  }
0x72: {  	_ =	shalt  }
0x73: {  	_ =	shalt  }
0x74: {  	_ =	shalt  }
0x75: {  	_ =	shalt  }
0x76: {  	_ =	shalt  }
0x77: {  	_ =	shalt  }
0x78: {  	_ =	shalt  }
0x79: {  	_ =	shalt  }
0x7a: {  	_ =	shalt  }
0x7b: {  	_ =	shalt  }
0x7c: {  	_ =	shalt  }
0x7d: {  	_ =	shalt  }
0x7e: {  	_ =	shalt  }
0x7f: {  	_ =	shalt  }
0x80: {  	_ =	shalt  }
0x81: {  	_ =	shalt  }
0x82: {  	_ =	shalt  }
0x83: {  	_ =	shalt  }
0x84: {  	_ =	shalt  }
0x85: {  	_ =	shalt  }
0x86: {  	_ =	shalt  }
0x87: {  	_ =	shalt  }
.Lfunc_end0:
.L_simem_size_0:
called_computation_lowered:
.L_overlay_start_0:
0x88: {  	s2 =	sld [smem:$0x3FD9]  }
0x89: {  	s3 =	sld [smem:$0x3FFE];
	_ =	sdelay $0x1  }
0x8a: {  	s1 =	srdreg.scid  }
0x8b: {  	s0 =	sand.u32 $0x1, s1  }
0x8c: {  	s14 =	sshll.u32 s0, $0xA;
	s2 =	sadd.s32 s3, s2  }
0x8d: {  	s2 =	sadd.s32 s2, s14  }
0x8e: {  	[smem:$0x3FB8] =	sst s2  }
0x8f: {  	_ = 	snop  }
0x90: {  	s2 =	sld [smem:$0x3FD0];
	_ =	sdelay $0x2  }
0x91: {  	s15 =	simm.s32 $0xA;
	s4 =	simm.s32 $0x10  }
0x92: {  	[smem:s4], [sflag:s15] =	dma.local [hbm:s2], $0x1  }
0x93: {  	_ =	swait.eq [sflag:s15], $0x1  }
0x94: {  	[sflag:s15] =	ssyncset.done $0x0  }
0x95: {  	[sflag:s15] =	ssyncadd.s32 $0xFFFFFFFF  }
0x96: {  	s16 =	sld [smem:$0x10];
	(tm) =	ssettm $0x1  }
0x97: {  	s17 =	sld [smem:$0x3FFB];
	_ =	sdelay $0x3  }
0x98: {  	_ =	strace s17  }
0x99: {  	s3 =	sld [smem:$0x3FFC];
	_ =	sdelay $0x3  }
0x9a: {  	_ =	strace s3  }
0x9b: {  	s3 =	sld [smem:$0x3FFD];
	_ =	sdelay $0x3  }
0x9c: {  	_ =	strace s3  }
0x9d: {  	_ =	strace $0x8FFFFFFF  }
0x9e: {  	s18 =	sld [smem:$0x3FDB];
	_ =	sdelay $0x1  }
0x9f: {  	s19 =	simm.s32 $_scs_section_size  }
0xa0: {  	s5 =	simm.s32 $_size__tile_overlayer_lowered;
	s6 =	simm.s32 $_tile_overlayer_lowered  }
0xa1: {  	s22 =	simm.s32 $0x1BFF;
	s21 =	sshll.u32 s6, $0x1;
	s3 =	sadd.s32 s19, s18  }
0xa2: {  	s7 =	simm.s32 $0x0;
	s20 =	sshll.u32 s5, $0x1;
	s5 =	sadd.s32 s21, s3  }
0xa3: {  	[timem:s7], [sflag:s22] =	dma.local [hbm:s5], s20  }
0xa4: {  	_ =	swait.ge [sflag:s22], s20  }
0xa5: {  	s4 =	ssub.s32 $0x0, s20;
	[sflag:s22] =	ssyncset.done $0x0  }
0xa6: {  	[sflag:s22] =	ssyncadd.s32 s4;
	_ =	sdelay $0x1  }
0xa7: {  	s23 =	simm.s32 $0x1B8B  }
0xa8: {  	_ =	swait.ge [sflag:s23], $0x1  }
0xa9: {  	[sflag:s23] =	ssyncset.done $0x0  }
0xaa: {  	s25 =	simm.s32 $0x1B8E;
	s24 =	sld [smem:$0x3FFE];
	[sflag:s23] =	ssyncadd.s32 $0xFFFFFFFF  }
0xab: {  	s26 =	simm.s32 $execute0_lowered;
	[smem:$0x3FD2] =	sst s25  }
0xac: {  	s5 =	sshll.u32 s26, $0x1;
	_ =	strace $0x80000046;
	[dreg:$0x1] =	wrdreg $0xFFFFFFFF  }
0xad: {  	s28 =	simm.s32 $_size_execute0_lowered;
	s3 =	sadd.s32 s3, s5;
	[dreg:$0x0] =	wrdreg $0x0  }
0xae: {  	s5 =	sshll.u32 s28, $0x1;
	[dreg:$0x2] =	wrdreg s3  }
0xaf: {  	[dreg:$0x3] =	wrdreg s5  }
0xb0: {  	[dreg:$0x4] =	wrdreg $0xC0  }
0xb1: {  	_ =	task [dreg:s7], $0x5FFFF  }
0xb2: {  	[dreg:$0x1] =	wrdreg $0xFFFFFFFF  }
0xb3: {  	[dreg:$0x0] =	wrdreg $0x60  }
0xb4: {  	[dreg:$0x2] =	wrdreg s16  }
0xb5: {  	[dreg:$0x3] =	wrdreg s24  }
0xb6: {  	[dreg:$0x4] =	wrdreg $0x68000  }
0xb7: {  	[dreg:$0x5] =	wrdreg $0x9  }
0xb8: {  	_ =	task.clear_ibuf [dreg:s7], $0x6FFFF;
	_ =	strace $0x90000046  }
0xb9: {  	s29 =	simm.s32 $0x9;
	_ =	strace $0x80000048  }
0xba: {  	_ =	swait.ge [sflag:s29], $0x1  }
0xbb: {  	[sflag:s29] =	ssyncadd.s32 $0xFFFFFFFF  }
0xbc: {  	_ =	strace $0x90000048  }
0xbd: {  	_ =	sfence  }
0xbe: {  	s30 =	sld [smem:$0x0];
	_ =	sdelay $0x2  }
0xbf: {  	s31 =	sshll.u32 s1, $0xD;
	s1 =	sshrl.u32 s1, $0x2  }
0xc0: {  	s3 =	sand.u32 $0x4000, s31;
	s1 =	sadd.s32 s1, s30  }
0xc1: {  	s0 =	sor.u32 s3, s0;
	s1 =	sshll.u32 s1, $0x11  }
0xc2: {  	s0 =	sor.u32 s1, s0  }
0xc3: {  	s0 =	sadd.s32 $0x8F2B, s0  }
0xc4: {  	[sflag:s0] =	ssyncadd.remote.s32 $0x1  }
0xc5: {  	_ =	sfence.sel $0xFFFF  }
0xc6: {  	[dreg:$0x0] =	wrdreg $0xFFFFFFFF;
	(pc) =	sbr.abs _section_cstart, $3  }
0xc7: {  	[dreg:$0x1] =	wrdreg $0xFFFFFFFF  }
0xc8: {  	_ =	task.clear_ibuf [dreg:s7], $0x2FFFF;
	_ =	strace $0x9FFFFFFF  }
0xc9: {  	(tm) =	ssettm $0x7FFFFFFF  }
tec
execute0_lowered:
.L_overlay_start_1:
0x0: {  	(tag) =	ssettag $0x1  }
0x1: {  	s7 =	rddreg [dreg:$0x0]  }
0x2: {  	s6 =	rddreg [dreg:$0x1]  }
0x3: {  	s1 =	rddreg [dreg:$0x2]  }
0x4: {  	s0 =	rddreg [dreg:$0x3];
	s2 =	stileid.u32  }
0x5: {  	s3 =	simm.s32 $0x0;
	s4 =	srdreg.scid;
	s9 =	smul.u32 $0x4F000, s2  }
0x6: {  	[smem:$0x7FF] =	sst s3;
	s8 =	sand.u32 $0x1, s4;
	s12 =	smul.u32 $0x2800, s2  }
0x7: {  	s4 =	sadd.s32 $0x4600, s6;
	s5 =	sadd.s32 $0x6E00, s6;
	s14 =	smul.u32 $0x4E000, s2  }
0x8: {  	s11 =	sadd.s32 $0x7600, s6;
	s28 =	sshll.u32 s2, $0x6;
	s29 =	smul.u32 $0x2700, s2  }
0x9: {  	s17 =	sadd.s32 $0x138000, s1;
	p0 =	sne.s32 s2, $0xF;
	s10 =	smul.u32 $0x28000, s8  }
0xa: {  	_ =	strace $0x80000047;
	s25 =	ssub.s32 $0x2, s8;
	s26 =	smul.u32 $0x27100, s8  }
0xb: {  	s8 =	smul.u32 $0x138800, s8;
	s6 =	sor.u32 $0x1C01, s28;
	s13 =	sshrl.u32 s25, $0x1  }
0xc: {  	s9 =	sshrl.u32 s9, $0x2;
	s30 =	sshrl.u32 s14, $0x2;
	s14 =	simm.s32 $0x80  }
0xd: {  	s13 =	ssub.s32 s25, s13;
	s15 =	sadd.s32 s9, s1;
	s10 =	sadd.s32 s12, s10  }
0xe: {  	s8 =	sshrl.u32 s8, $0x3;
	s16 =	sadd.s32 s30, s1;
	s9 =	sadd.s32 s29, s26  }
0xf: {  	s12 =	simm.s32 $0x1;
	s10 =	sshrl.u32 s10, $0x3;
	s31 =	sadd.s32 s11, s8  }
0x10: {  	s8 =	sadd.s32 s11, s9;
	s11 =	sshrl.u32 s15, $0x3;
	s15 =	sshrl.u32 s16, $0x3  }
0x11: {  	s16 =	sshrl.u32 @!p0 s17, $0x3;
	s17 =	simm.s32 $0x0;
	s7 =	sadd.s32 s7, s10  }
0x12: {  	s9 =	sadd.s32 $0x27000, s31;
	s10 =	smax.u32 s13, $0x1;
	s13 =	simm.s32 $0x2800  }
.LBB2_1:
0x13: {  	[spmem:s11], [sflag:s6] =	dma.local [hbm:s4], $0x2780  }
0x14: {  	_ =	swait.ge [sflag:s12], $0x2780  }
0x15: {  	[sflag:s12] =	ssyncset.done $0x0  }
0x16: {  	[sflag:s12] =	ssyncadd.s32 $0xFFFFD880  }
0x17: {  	[tilespmem:s3], [sflag:$0x1] =	stream.linear.gather [hbm4b:s7+s3], $0x2800, $0x38;
	[tilespmem:$0x1A400] =	vst v63  }
0x18: {  	_ =	swait.ge [sflag:s12], $0x2800  }
0x19: {  	[sflag:s12] =	ssyncset.done $0x0  }
0x1a: {  	[sflag:s12] =	ssyncadd.s32 $0xFFFFD800  }
0x1b: {  	[tilespmem:s13], [sflag:$0x1] =	stream.linear.gather [hbm4b:s5+s3], $0x4000, $0x38;
	[tilespmem:$0x1A400] =	vst v63  }
0x1c: {  	_ =	swait.ge [sflag:s12], $0x4000  }
0x1d: {  	[sflag:s12] =	ssyncset.done $0x0  }
0x1e: {  	[sflag:s12] =	ssyncadd.s32 $0xFFFFC000  }
0x1f: {  	s18 =	simm.s32 $0x0;
	[bflag:$0x0] =	sbarrier.arrive $0xFFFF  }
0x20: {  	[spmem:s1] =	stream.indirect.scatter.add.f32 [tilespmem:s13], [sflag:$0x1], $0x80, s18, s14, $0xb8;
	[tilespmem:$0x1A400] =	vst v63  }
0x21: {  	_ =	swait.ge [sflag:s12], $0x4000  }
0x22: {  	s18 =	simm.s32 $0x200;
	[sflag:s12] =	ssyncset.done $0x0  }
.LBB2_2:
0x23: {  	s19 =	sshra.s32 s18, $0x2;
	[sflag:s12] =	ssyncadd.s32 $0xFFFFC000;
	p1 =	sne.s32 s18, $0x9E00  }
0x24: {  	[spmem:s1] =	stream.indirect.scatter.add.f32 [tilespmem:s13], [sflag:$0x1], $0x80, s19, s14, $0xb8;
	[tilespmem:$0x1A400] =	vst v63  }
.Ltmp0:
0x25: {  	_ = 	snop;
	(pc) =	sbr.rel @p1 .LBB2_2-.Ltmp0, $4  }
0x26: {  	_ = 	snop  }
0x27: {  	s18 =	sadd.s32 $0x200, s18  }
0x28: {  	_ =	swait.ge [sflag:s12], $0x4000  }
0x29: {  	[sflag:s12] =	ssyncset.done $0x0  }
0x2a: {  	[sflag:s12] =	ssyncadd.s32 $0xFFFFC000  }
0x2b: {  	[bflag:$0x0] =	sbarrier.arrive $0xFFFF  }
0x2c: {  	[hbm:s8], [sflag:s6] =	dma.local [spmem:s15], $0x2700  }
0x2d: {  	s17 =	sadd.s32 $0x1, s17;
	_ =	swait.ge [sflag:s12], $0x2700  }
0x2e: {  	p1 =	sne.s32 s17, s10;
	[sflag:s12] =	ssyncset.done $0x0  }
.Ltmp1:
0x2f: {  	s18 =	simm.s32 @!p0 $0x1;
	[sflag:s12] =	ssyncadd.s32 $0xFFFFD900;
	(pc) =	sbr.rel @p1 .LBB2_1-.Ltmp1, $4  }
0x30: {  	[hbm:s9], [sflag:s6] =	dma.local @!p0 [spmem:s16], $0x100  }
0x31: {  	_ =	swait.ge @!p0 [sflag:s18], $0x100  }
0x32: {  	[sflag:s18] =	ssyncset.done @!p0 $0x0  }
0x33: {  	[sflag:s18] =	ssyncadd.s32 @!p0 $0xFFFFFF00  }
0x34: {  	_ =	sfence.sel $0x180000  }
0x35: {  	[bflag:$0x0] =	sbarrier.arrive $0xFFFF  }
0x36: {  	p0 =	sne.s32 s2, $0x0;
	_ =	strace $0x90000047  }
0x37: {  	s0 =	sadd.s32 @!p0 $0x100000, s0;
	[bflag:$0x2] =	sbarrier.arrive $0xFFFF  }
0x38: {  	[sflag:s0] =	ssyncadd.tile.s32 @!p0 $0x1;
	_ =	shalt  }
.Lfunc_end2:
_tile_overlayer_lowered:
.L_overlay_start_2:
0x39: {  	(tag) =	ssettag $0x2  }
0x3a: {  	s0 =	rddreg [dreg:$0x0];
	s2 =	stileid.u32  }
0x3b: {  	s1 =	rddreg [dreg:$0x1];
	p0 =	sne.s32 s2, $0x0  }
0x3c: {  	s3 =	rddreg [dreg:$0x2];
	[bflag:$0x3] =	sbarrier.arrive $0xFFFF;
	s2 =	simm.s32 @!p0 $0x1C01  }
0x3d: {  	[timem:s3], [sflag:s2] =	dma.local @!p0 [hbm:s0], s1  }
0x3e: {  	s0 =	simm.s32 @!p0 $0x1  }
0x3f: {  	_ =	swait.ge @!p0 [sflag:s0], s1  }
0x40: {  	s1 =	ssub.s32 @!p0 $0x0, s1;
	[sflag:s0] =	ssyncset.done @!p0 $0x0  }
0x41: {  	[sflag:s0] =	ssyncadd.s32 @!p0 s1  }
0x42: {  	[bflag:$0x3] =	sbarrier.arrive $0xFFFF  }
0x43: {  	_ =	shalt  }

// kernel: kernel.13.cloned.1.call-start
scs
__scs_entry_jumppad:
0x0: {  	(pc) =	sbr.rel $0x88, $3  }
0x1: {  	(tag) =	ssettag $0x0;
	lr =	simm.s32 $0x1  }
0x2: {  	[smem:$0x3F91] =	sst lr;
	_ =	strace $0xD0000000  }
0x3: {  	_ = 	snop  }
0x4: {  	_ = 	snop  }
0x5: {  	_ = 	snop  }
0x6: {  	_ = 	snop  }
0x7: {  	_ = 	snop  }
__scs_overlays_trampoline_lowered:
0x8: {  	[smem:$0x3FA0] =	sst s0  }
0x9: {  	[smem:$0x3FA1] =	sst s1  }
0xa: {  	[smem:$0x3FA2] =	sst s2  }
0xb: {  	[smem:$0x3FA3] =	sst s3  }
0xc: {  	[smem:$0x3FA4] =	sst s4  }
0xd: {  	[smem:$0x3FA5] =	sst s5  }
0xe: {  	[smem:$0x3FA6] =	sst s6  }
0xf: {  	[smem:$0x3FA7] =	sst s7  }
0x10: {  	[smem:$0x3FA8] =	sst s8  }
0x11: {  	[smem:$0x3FA9] =	sst s9;
	s0 =	simm.s32 @!p0 $0x0  }
0x12: {  	s1 =	sld [smem:$0x3F8F];
	s0 =	simm.s32 @p0 $0x1  }
0x13: {  	[smem:$0x3FAA] =	sst s0;
	s0 =	simm.s32 @!p1 $0x0  }
0x14: {  	s2 =	sld [smem:$0x3F8E];
	s0 =	simm.s32 @p1 $0x1  }
0x15: {  	[smem:$0x3FAB] =	sst s0;
	s0 =	simm.s32 @!p2 $0x0  }
0x16: {  	s3 =	sld [smem:$0x3FDB];
	s0 =	simm.s32 @p2 $0x1  }
0x17: {  	s4 =	simm.s32 $0x1BF5;
	[smem:$0x3FAD] =	sst s0  }
0x18: {  	s0 =	sld [smem:$0x3F90];
	_ =	swait.ge [sflag:s4], $0x0  }
0x19: {  	s7 =	sld [smem:$0x3F91]  }
0x1a: {  	s8 =	sadd.s32 $0xFFFFE003, lr  }
0x1b: {  	s9 =	sadd.s32 $0xFFFFFEF7, lr;
	s5 =	simm.s32 $0xFFFFFFFF;
	p2 =	slt.u32 s8, $0xFFFFF086  }
0x1c: {  	p1 =	slt.u32 s9, $0xF7A;
	s5 =	simm.s32 @!p2 $0x0  }
0x1d: {  	s5 =	simm.s32 @p1 $0x1;
	p0 =	seq.s32 s7, s2  }
0x1e: {  	s7 =	smul.u32 @!p0 $0xF7A, s2;
	p2 =	seq.s32 @!p0 s5, $0x0  }
0x1f: {  	s9 =	smul.u32 $0xF7A, s1;
	s8 =	simm.s32 @!p0 $0x1BF5;
	p2 =	por !p2, p0  }
0x20: {  	[sflag:s8] =	ssyncset.s32 @!p0 $0xFFFFF086;
	s6 =	sadd.s32 @!p0 s3, s7;
	s7 =	simm.s32 @!p0 $0x108  }
0x21: {  	s3 =	sadd.s32 s3, s9;
	s6 =	sadd.s32 @!p0 $0x88, s6;
	s7 =	simm.s32 @p2 $0x1082  }
0x22: {  	[simem:s7], [sflag:s8] =	dma.local @!p0 [hbm:s6], $0xF7A  }
0x23: {  	s9 =	sor.u32 $0xD0000000, s2;
	s6 =	simm.s32 $0x108;
	_ =	swait.ge @!p0 [sflag:s8], $0x0  }
0x24: {  	s3 =	sadd.s32 $0x88, s3;
	s6 =	simm.s32 @!p1 $0x1082;
	[sflag:s4] =	ssyncset.s32 $0xFFFFF086  }
0x25: {  	[simem:s6], [sflag:s4] =	dma.local [hbm:s3], $0xF7A  }
0x26: {  	[smem:$0x3F91] =	sst s1;
	(tag) =	ssettag s2;
	_ =	strace s9  }
0x27: {  	s1 =	sld [smem:$0x3FA1]  }
0x28: {  	s2 =	sld [smem:$0x3FA2]  }
0x29: {  	s4 =	sld [smem:$0x3FA4]  }
0x2a: {  	p0 =	seq.s32 s5, $0x0;
	s5 =	sld [smem:$0x3FA5]  }
0x2b: {  	s6 =	sld [smem:$0x3FA6]  }
0x2c: {  	s7 =	sld [smem:$0x3FA7]  }
0x2d: {  	s3 =	simm.s32 $0x108;
	s8 =	sld [smem:$0x3FA8]  }
0x2e: {  	s3 =	simm.s32 @!p0 $0x1082;
	s9 =	sld [smem:$0x3FA9]  }
0x2f: {  	lr =	sadd.s32 s0, s3;
	s0 =	sld [smem:$0x3FA0]  }
0x30: {  	s3 =	sld [smem:$0x3FA3]  }
0x31: {  	[smem:$0x3FAC] =	sst s10  }
0x32: {  	s10 =	sld [smem:$0x3FAA];
	_ =	sdelay $0x3  }
0x33: {  	p0 =	seq.s32 s10, $0x1;
	s10 =	sld [smem:$0x3FAC];
	_ =	sdelay $0x3  }
0x34: {  	[smem:$0x3FAC] =	sst s10  }
0x35: {  	s10 =	sld [smem:$0x3FAB];
	_ =	sdelay $0x3  }
0x36: {  	p1 =	seq.s32 s10, $0x1;
	s10 =	sld [smem:$0x3FAC];
	_ =	sdelay $0x3  }
0x37: {  	[smem:$0x3FAC] =	sst s10  }
0x38: {  	s10 =	sld [smem:$0x3FAD]  }
0x39: {  	_ = 	snop;
	(pc) =	sbr.ind lr, $3  }
0x3a: {  	_ = 	snop  }
0x3b: {  	_ = 	snop  }
0x3c: {  	p2 =	seq.s32 s10, $0x1;
	s10 =	sld [smem:$0x3FAC]  }
0x3d: {  	_ =	shalt  }
0x3e: {  	_ =	shalt  }
0x3f: {  	_ =	shalt  }
0x40: {  	_ =	shalt  }
0x41: {  	_ =	shalt  }
0x42: {  	_ =	shalt  }
0x43: {  	_ =	shalt  }
0x44: {  	_ =	shalt  }
0x45: {  	_ =	shalt  }
0x46: {  	_ =	shalt  }
0x47: {  	_ =	shalt  }
0x48: {  	_ =	shalt  }
0x49: {  	_ =	shalt  }
0x4a: {  	_ =	shalt  }
0x4b: {  	_ =	shalt  }
0x4c: {  	_ =	shalt  }
0x4d: {  	_ =	shalt  }
0x4e: {  	_ =	shalt  }
0x4f: {  	_ =	shalt  }
0x50: {  	_ =	shalt  }
0x51: {  	_ =	shalt  }
0x52: {  	_ =	shalt  }
0x53: {  	_ =	shalt  }
0x54: {  	_ =	shalt  }
0x55: {  	_ =	shalt  }
0x56: {  	_ =	shalt  }
0x57: {  	_ =	shalt  }
0x58: {  	_ =	shalt  }
0x59: {  	_ =	shalt  }
0x5a: {  	_ =	shalt  }
0x5b: {  	_ =	shalt  }
0x5c: {  	_ =	shalt  }
0x5d: {  	_ =	shalt  }
0x5e: {  	_ =	shalt  }
0x5f: {  	_ =	shalt  }
0x60: {  	_ =	shalt  }
0x61: {  	_ =	shalt  }
0x62: {  	_ =	shalt  }
0x63: {  	_ =	shalt  }
0x64: {  	_ =	shalt  }
0x65: {  	_ =	shalt  }
0x66: {  	_ =	shalt  }
0x67: {  	_ =	shalt  }
0x68: {  	_ =	shalt  }
0x69: {  	_ =	shalt  }
0x6a: {  	_ =	shalt  }
0x6b: {  	_ =	shalt  }
0x6c: {  	_ =	shalt  }
0x6d: {  	_ =	shalt  }
0x6e: {  	_ =	shalt  }
0x6f: {  	_ =	shalt  }
0x70: {  	_ =	shalt  }
0x71: {  	_ =	shalt  }
0x72: {  	_ =	shalt  }
0x73: {  	_ =	shalt  }
0x74: {  	_ =	shalt  }
0x75: {  	_ =	shalt  }
0x76: {  	_ =	shalt  }
0x77: {  	_ =	shalt  }
0x78: {  	_ =	shalt  }
0x79: {  	_ =	shalt  }
0x7a: {  	_ =	shalt  }
0x7b: {  	_ =	shalt  }
0x7c: {  	_ =	shalt  }
0x7d: {  	_ =	shalt  }
0x7e: {  	_ =	shalt  }
0x7f: {  	_ =	shalt  }
0x80: {  	_ =	shalt  }
0x81: {  	_ =	shalt  }
0x82: {  	_ =	shalt  }
0x83: {  	_ =	shalt  }
0x84: {  	_ =	shalt  }
0x85: {  	_ =	shalt  }
0x86: {  	_ =	shalt  }
0x87: {  	_ =	shalt  }
.Lfunc_end0:
.L_simem_size_0:
called_computation.1_lowered:
.L_overlay_start_0:
0x88: {  	s2 =	sld [smem:$0x3FD9]  }
0x89: {  	s3 =	sld [smem:$0x3FFE];
	_ =	sdelay $0x1  }
0x8a: {  	s1 =	srdreg.scid  }
0x8b: {  	s0 =	sand.u32 $0x1, s1  }
0x8c: {  	s14 =	sshll.u32 s0, $0xA;
	s2 =	sadd.s32 s3, s2  }
0x8d: {  	s2 =	sadd.s32 s2, s14  }
0x8e: {  	[smem:$0x3FB8] =	sst s2  }
0x8f: {  	_ = 	snop  }
0x90: {  	s2 =	sld [smem:$0x3FD0];
	_ =	sdelay $0x2  }
0x91: {  	s15 =	simm.s32 $0xA;
	s4 =	simm.s32 $0x10  }
0x92: {  	[smem:s4], [sflag:s15] =	dma.local [hbm:s2], $0x1  }
0x93: {  	_ =	swait.eq [sflag:s15], $0x1  }
0x94: {  	[sflag:s15] =	ssyncset.done $0x0  }
0x95: {  	s16 =	sld [smem:$0x10];
	[sflag:s15] =	ssyncadd.s32 $0xFFFFFFFF  }
0x96: {  	s17 =	sld [smem:$0x11];
	(tm) =	ssettm $0x1  }
0x97: {  	s18 =	sld [smem:$0x3FFB];
	_ =	sdelay $0x3  }
0x98: {  	_ =	strace s18  }
0x99: {  	s4 =	sld [smem:$0x3FFC];
	_ =	sdelay $0x3  }
0x9a: {  	_ =	strace s4  }
0x9b: {  	s4 =	sld [smem:$0x3FFD];
	_ =	sdelay $0x3  }
0x9c: {  	_ =	strace s4  }
0x9d: {  	_ =	strace $0x8FFFFFFF  }
0x9e: {  	s19 =	sld [smem:$0x3FDB];
	_ =	sdelay $0x1  }
0x9f: {  	s5 =	simm.s32 $_scs_section_size  }
0xa0: {  	s6 =	simm.s32 $_size__tile_overlayer_lowered;
	s7 =	simm.s32 $_tile_overlayer_lowered  }
0xa1: {  	s22 =	simm.s32 $0x1BFF;
	s21 =	sshll.u32 s7, $0x1;
	s4 =	sadd.s32 s5, s19  }
0xa2: {  	s8 =	simm.s32 $0x0;
	s20 =	sshll.u32 s6, $0x1;
	s6 =	sadd.s32 s21, s4  }
0xa3: {  	[timem:s8], [sflag:s22] =	dma.local [hbm:s6], s20  }
0xa4: {  	_ =	swait.ge [sflag:s22], s20  }
0xa5: {  	s5 =	ssub.s32 $0x0, s20;
	[sflag:s22] =	ssyncset.done $0x0  }
0xa6: {  	[sflag:s22] =	ssyncadd.s32 s5;
	_ =	sdelay $0x1  }
0xa7: {  	s23 =	simm.s32 $0x1B8B  }
0xa8: {  	_ =	swait.ge [sflag:s23], $0x1  }
0xa9: {  	[sflag:s23] =	ssyncset.done $0x0  }
0xaa: {  	s25 =	simm.s32 $0x1B8E;
	s24 =	sld [smem:$0x3FFE];
	[sflag:s23] =	ssyncadd.s32 $0xFFFFFFFF  }
0xab: {  	s26 =	simm.s32 $execute0_lowered;
	[smem:$0x3FD2] =	sst s25  }
0xac: {  	s6 =	sshll.u32 s26, $0x1;
	_ =	strace $0x80000049;
	[dreg:$0x1] =	wrdreg $0xFFFFFFFF  }
0xad: {  	s28 =	simm.s32 $_size_execute0_lowered;
	s4 =	sadd.s32 s4, s6;
	[dreg:$0x0] =	wrdreg $0x0  }
0xae: {  	s6 =	sshll.u32 s28, $0x1;
	[dreg:$0x2] =	wrdreg s4  }
0xaf: {  	[dreg:$0x3] =	wrdreg s6  }
0xb0: {  	[dreg:$0x4] =	wrdreg $0xC0  }
0xb1: {  	_ =	task [dreg:s8], $0x5FFFF  }
0xb2: {  	[dreg:$0x1] =	wrdreg $0xFFFFFFFF  }
0xb3: {  	[dreg:$0x0] =	wrdreg $0x60  }
0xb4: {  	[dreg:$0x2] =	wrdreg s24  }
0xb5: {  	[dreg:$0x3] =	wrdreg s17  }
0xb6: {  	[dreg:$0x4] =	wrdreg s16  }
0xb7: {  	[dreg:$0x5] =	wrdreg $0x90000  }
0xb8: {  	[dreg:$0x6] =	wrdreg $0x9  }
0xb9: {  	_ =	task.clear_ibuf [dreg:s8], $0x7FFFF;
	_ =	strace $0x90000049  }
0xba: {  	s29 =	simm.s32 $0x9;
	_ =	strace $0x8000004B  }
0xbb: {  	_ =	swait.ge [sflag:s29], $0x1  }
0xbc: {  	[sflag:s29] =	ssyncadd.s32 $0xFFFFFFFF  }
0xbd: {  	_ =	strace $0x9000004B  }
0xbe: {  	_ =	sfence  }
0xbf: {  	s30 =	sld [smem:$0x0];
	_ =	sdelay $0x2  }
0xc0: {  	s31 =	sshll.u32 s1, $0xD;
	s1 =	sshrl.u32 s1, $0x2  }
0xc1: {  	s3 =	sand.u32 $0x4000, s31;
	s1 =	sadd.s32 s1, s30  }
0xc2: {  	s0 =	sor.u32 s3, s0;
	s1 =	sshll.u32 s1, $0x11  }
0xc3: {  	s0 =	sor.u32 s1, s0  }
0xc4: {  	s0 =	sadd.s32 $0x8F2B, s0  }
0xc5: {  	[sflag:s0] =	ssyncadd.remote.s32 $0x1  }
0xc6: {  	_ =	sfence.sel $0xFFFF  }
0xc7: {  	[dreg:$0x0] =	wrdreg $0xFFFFFFFF;
	(pc) =	sbr.abs _section_cstart, $3  }
0xc8: {  	[dreg:$0x1] =	wrdreg $0xFFFFFFFF  }
0xc9: {  	_ =	task.clear_ibuf [dreg:s8], $0x2FFFF;
	_ =	strace $0x9FFFFFFF  }
0xca: {  	(tm) =	ssettm $0x7FFFFFFF  }
0xcb: {  	_ =	shalt  }
tec
execute0_lowered:
.L_overlay_start_1:
0x0: {  	(tag) =	ssettag $0x1  }
0x1: {  	s6 =	rddreg [dreg:$0x0]  }
0x2: {  	s7 =	rddreg [dreg:$0x1]  }
0x3: {  	s8 =	rddreg [dreg:$0x2]  }
0x4: {  	s1 =	rddreg [dreg:$0x3]  }
0x5: {  	s0 =	rddreg [dreg:$0x4];
	s3 =	simm.s32 $0x0  }
0x6: {  	s4 =	srdreg.scid;
	s2 =	stileid.u32;
	s17 =	simm.s32 $0x1  }
0x7: {  	s20 =	simm.s32 $0x0;
	[smem:$0x7FF] =	sst s3;
	s10 =	smul.u32 $0x4F000, s2  }
0x8: {  	s9 =	sand.u32 $0x1, s4;
	s4 =	sadd.s32 $0x6E00, s6;
	s13 =	smul.u32 $0x2800, s2  }
0x9: {  	s5 =	sadd.s32 $0x4600, s6;
	s12 =	sadd.s32 $0xA3200, s6;
	s15 =	smul.u32 $0x4E000, s2  }
0xa: {  	s26 =	sshll.u32 s2, $0x6;
	s28 =	smul.u32 $0x2700, s2;
	s19 =	sadd.s32 $0x138000, s1  }
0xb: {  	p0 =	sne.s32 s2, $0xF;
	_ =	strace $0x8000004A;
	s11 =	smul.u32 $0x28000, s9  }
0xc: {  	s24 =	ssub.s32 $0x2, s9;
	s25 =	smul.u32 $0x27100, s9;
	s6 =	sor.u32 $0x1C02, s26  }
0xd: {  	s9 =	smul.u32 $0x138800, s9;
	s19 =	sshrl.u32 @!p0 s19, $0x3;
	s14 =	sshrl.u32 s24, $0x1  }
0xe: {  	s10 =	sshrl.u32 s10, $0x2;
	s29 =	sshrl.u32 s15, $0x2;
	s15 =	simm.s32 $0x80  }
0xf: {  	s14 =	ssub.s32 s24, s14;
	s16 =	sadd.s32 s10, s1;
	s11 =	sadd.s32 s13, s11  }
0x10: {  	s18 =	sadd.s32 s29, s1;
	s10 =	sadd.s32 s28, s25;
	s30 =	sshrl.u32 s9, $0x3  }
0x11: {  	s13 =	simm.s32 $0x2;
	s11 =	sshrl.u32 s11, $0x3;
	s9 =	sadd.s32 s12, s10  }
0x12: {  	s31 =	sadd.s32 s12, s30;
	s12 =	sshrl.u32 s16, $0x3;
	s16 =	simm.s32 $0x5000  }
0x13: {  	s18 =	sshrl.u32 s18, $0x3;
	s7 =	sadd.s32 s7, s11;
	s8 =	sadd.s32 s8, s11  }
0x14: {  	s10 =	sadd.s32 $0x27000, s31;
	s11 =	smax.u32 s14, $0x1;
	s14 =	simm.s32 $0x2800  }
.LBB2_1:
0x15: {  	[spmem:s12], [sflag:s6] =	dma.local [hbm:s5], $0x2780  }
0x16: {  	_ =	swait.ge [sflag:s13], $0x2780  }
0x17: {  	[sflag:s13] =	ssyncset.done $0x0  }
0x18: {  	[sflag:s13] =	ssyncadd.s32 $0xFFFFD880  }
0x19: {  	[tilespmem:s3], [sflag:$0x2] =	stream.linear.gather [hbm4b:s7+s3], $0x2800, $0x38;
	[tilespmem:$0x1CC00] =	vst v63  }
0x1a: {  	_ =	swait.ge [sflag:s13], $0x2800  }
0x1b: {  	[sflag:s13] =	ssyncset.done $0x0  }
0x1c: {  	[sflag:s13] =	ssyncadd.s32 $0xFFFFD800  }
0x1d: {  	[tilespmem:s14], [sflag:$0x2] =	stream.linear.gather [hbm4b:s8+s3], $0x2800, $0x38;
	[tilespmem:$0x1CC00] =	vst v63  }
0x1e: {  	_ =	swait.ge [sflag:s13], $0x2800  }
0x1f: {  	[sflag:s13] =	ssyncset.done $0x0  }
0x20: {  	[sflag:s13] =	ssyncadd.s32 $0xFFFFD800  }
0x21: {  	s21 =	simm.s32 $0x0;
	[bflag:$0x0] =	sbarrier.arrive $0xFFFF  }
0x22: {  	[tilespmem:s16], [sflag:$0x1] =	stream.indirect.gather [hbm4b:s4+s15], $0x80, s21, s15, $0xb8;
	[tilespmem:$0x1CC00] =	vst v63  }
0x23: {  	_ =	swait.ge [sflag:s17], $0x4000  }
0x24: {  	[sflag:s17] =	ssyncset.done $0x0  }
0x25: {  	s31 =	simm.s32 $0x2800;
	[sflag:s17] =	ssyncadd.s32 $0xFFFFC000  }
0x26: {  	[spmem:s1] =	stream.indirect.scatter.add.f32 [tilespmem:s16], [sflag:$0x2], $0x80, s31, s15, $0xb8;
	[tilespmem:$0x1CC00] =	vst v63  }
0x27: {  	_ =	swait.ge [sflag:s13], $0x4000  }
0x28: {  	s22 =	simm.s32 $0x400;
	s21 =	simm.s32 $0x200;
	[sflag:s13] =	ssyncset.done $0x0  }
.LBB2_2:
0x29: {  	s23 =	sshra.s32 s21, $0x2  }
0x2a: {  	[sflag:s13] =	ssyncadd.s32 $0xFFFFC000;
	s21 =	smov.u32 s22;
	s24 =	sadd.s32 $0x200, s22  }
0x2b: {  	[tilespmem:s16], [sflag:$0x1] =	stream.indirect.gather [hbm4b:s4+s15], $0x80, s23, s15, $0xb8;
	[tilespmem:$0x1CC00] =	vst v63  }
0x2c: {  	p1 =	sne.s32 s22, $0x9E00;
	_ =	swait.ge [sflag:s17], $0x4000  }
.Ltmp0:
0x2d: {  	[sflag:s17] =	ssyncset.done $0x0;
	(pc) =	sbr.rel @p1 .LBB2_2-.Ltmp0, $4  }
0x2e: {  	s22 =	sadd.s32 $0x2800, s23;
	[sflag:s17] =	ssyncadd.s32 $0xFFFFC000  }
0x2f: {  	[spmem:s1] =	stream.indirect.scatter.add.f32 [tilespmem:s16], [sflag:$0x2], $0x80, s22, s15, $0xb8;
	[tilespmem:$0x1CC00] =	vst v63  }
0x30: {  	_ =	swait.ge [sflag:s13], $0x4000  }
0x31: {  	s22 =	smov.u32 s24;
	[sflag:s13] =	ssyncset.done $0x0  }
0x32: {  	s21 =	sshra.s32 s21, $0x2;
	[sflag:s13] =	ssyncadd.s32 $0xFFFFC000  }
0x33: {  	[tilespmem:s16], [sflag:$0x1] =	stream.indirect.gather [hbm4b:s4+s15], $0x80, s21, s15, $0xb8;
	[tilespmem:$0x1CC00] =	vst v63  }
0x34: {  	_ =	swait.ge [sflag:s17], $0x4000  }
0x35: {  	[sflag:s17] =	ssyncset.done $0x0  }
0x36: {  	s21 =	sadd.s32 $0x2800, s21;
	[sflag:s17] =	ssyncadd.s32 $0xFFFFC000  }
0x37: {  	[spmem:s1] =	stream.indirect.scatter.add.f32 [tilespmem:s16], [sflag:$0x2], $0x80, s21, s15, $0xb8;
	[tilespmem:$0x1CC00] =	vst v63  }
0x38: {  	_ =	swait.ge [sflag:s13], $0x4000  }
0x39: {  	[sflag:s13] =	ssyncset.done $0x0  }
0x3a: {  	[sflag:s13] =	ssyncadd.s32 $0xFFFFC000  }
0x3b: {  	[bflag:$0x0] =	sbarrier.arrive $0xFFFF  }
0x3c: {  	[hbm:s9], [sflag:s6] =	dma.local [spmem:s18], $0x2700  }
0x3d: {  	s20 =	sadd.s32 $0x1, s20;
	_ =	swait.ge [sflag:s13], $0x2700  }
0x3e: {  	p1 =	sne.s32 s20, s11;
	[sflag:s13] =	ssyncset.done $0x0  }
.Ltmp1:
0x3f: {  	s21 =	simm.s32 @!p0 $0x2;
	[sflag:s13] =	ssyncadd.s32 $0xFFFFD900;
	(pc) =	sbr.rel @p1 .LBB2_1-.Ltmp1, $4  }
0x40: {  	[hbm:s10], [sflag:s6] =	dma.local @!p0 [spmem:s19], $0x100  }
0x41: {  	_ =	swait.ge @!p0 [sflag:s21], $0x100  }
0x42: {  	[sflag:s21] =	ssyncset.done @!p0 $0x0  }
0x43: {  	[sflag:s21] =	ssyncadd.s32 @!p0 $0xFFFFFF00  }
0x44: {  	_ =	sfence.sel $0x180000  }
0x45: {  	[bflag:$0x0] =	sbarrier.arrive $0xFFFF  }
0x46: {  	p0 =	sne.s32 s2, $0x0;
	_ =	strace $0x9000004A  }
0x47: {  	s0 =	sadd.s32 @!p0 $0x100000, s0;
	[bflag:$0x2] =	sbarrier.arrive $0xFFFF  }
0x48: {  	[sflag:s0] =	ssyncadd.tile.s32 @!p0 $0x1;
	_ =	shalt  }
.Lfunc_end2:
_tile_overlayer_lowered:
.L_overlay_start_2:
0x49: {  	(tag) =	ssettag $0x2  }
0x4a: {  	s0 =	rddreg [dreg:$0x0];
	s2 =	stileid.u32  }
0x4b: {  	s1 =	rddreg [dreg:$0x1];
	p0 =	sne.s32 s2, $0x0  }
0x4c: {  	s3 =	rddreg [dreg:$0x2];
	[bflag:$0x3] =	sbarrier.arrive $0xFFFF;
	s2 =	simm.s32 @!p0 $0x1C02  }
0x4d: {  	[timem:s3], [sflag:s2] =	dma.local @!p0 [hbm:s0], s1  }
0x4e: {  	s0 =	simm.s32 @!p0 $0x2  }
0x4f: {  	_ =	swait.ge @!p0 [sflag:s0], s1  }
0x50: {  	s1 =	ssub.s32 @!p0 $0x0, s1;
	[sflag:s0] =	ssyncset.done @!p0 $0x0  }
0x51: {  	[sflag:s0] =	ssyncadd.s32 @!p0 s1  }
0x52: {  	[bflag:$0x3] =	sbarrier.arrive $0xFFFF  }
0x53: {  	_ =	shalt  }

// kernel: kernel.16.cloned.1.call-start
scs
__scs_entry_jumppad:
0x0: {  	(pc) =	sbr.rel $0x88, $3  }
0x1: {  	(tag) =	ssettag $0x0;
	lr =	simm.s32 $0x1  }
0x2: {  	[smem:$0x3F91] =	sst lr;
	_ =	strace $0xD0000000  }
0x3: {  	_ = 	snop  }
0x4: {  	_ = 	snop  }
0x5: {  	_ = 	snop  }
0x6: {  	_ = 	snop  }
0x7: {  	_ = 	snop  }
__scs_overlays_trampoline_lowered:
0x8: {  	[smem:$0x3FA0] =	sst s0  }
0x9: {  	[smem:$0x3FA1] =	sst s1  }
0xa: {  	[smem:$0x3FA2] =	sst s2  }
0xb: {  	[smem:$0x3FA3] =	sst s3  }
0xc: {  	[smem:$0x3FA4] =	sst s4  }
0xd: {  	[smem:$0x3FA5] =	sst s5  }
0xe: {  	[smem:$0x3FA6] =	sst s6  }
0xf: {  	[smem:$0x3FA7] =	sst s7  }
0x10: {  	[smem:$0x3FA8] =	sst s8  }
0x11: {  	[smem:$0x3FA9] =	sst s9;
	s0 =	simm.s32 @!p0 $0x0  }
0x12: {  	s1 =	sld [smem:$0x3F8F];
	s0 =	simm.s32 @p0 $0x1  }
0x13: {  	[smem:$0x3FAA] =	sst s0;
	s0 =	simm.s32 @!p1 $0x0  }
0x14: {  	s2 =	sld [smem:$0x3F8E];
	s0 =	simm.s32 @p1 $0x1  }
0x15: {  	[smem:$0x3FAB] =	sst s0;
	s0 =	simm.s32 @!p2 $0x0  }
0x16: {  	s3 =	sld [smem:$0x3FDB];
	s0 =	simm.s32 @p2 $0x1  }
0x17: {  	s4 =	simm.s32 $0x1BF5;
	[smem:$0x3FAD] =	sst s0  }
0x18: {  	s0 =	sld [smem:$0x3F90];
	_ =	swait.ge [sflag:s4], $0x0  }
0x19: {  	s7 =	sld [smem:$0x3F91]  }
0x1a: {  	s8 =	sadd.s32 $0xFFFFE003, lr  }
0x1b: {  	s9 =	sadd.s32 $0xFFFFFEF7, lr;
	s5 =	simm.s32 $0xFFFFFFFF;
	p2 =	slt.u32 s8, $0xFFFFF086  }
0x1c: {  	p1 =	slt.u32 s9, $0xF7A;
	s5 =	simm.s32 @!p2 $0x0  }
0x1d: {  	s5 =	simm.s32 @p1 $0x1;
	p0 =	seq.s32 s7, s2  }
0x1e: {  	s7 =	smul.u32 @!p0 $0xF7A, s2;
	p2 =	seq.s32 @!p0 s5, $0x0  }
0x1f: {  	s9 =	smul.u32 $0xF7A, s1;
	s8 =	simm.s32 @!p0 $0x1BF5;
	p2 =	por !p2, p0  }
0x20: {  	[sflag:s8] =	ssyncset.s32 @!p0 $0xFFFFF086;
	s6 =	sadd.s32 @!p0 s3, s7;
	s7 =	simm.s32 @!p0 $0x108  }
0x21: {  	s3 =	sadd.s32 s3, s9;
	s6 =	sadd.s32 @!p0 $0x88, s6;
	s7 =	simm.s32 @p2 $0x1082  }
0x22: {  	[simem:s7], [sflag:s8] =	dma.local @!p0 [hbm:s6], $0xF7A  }
0x23: {  	s9 =	sor.u32 $0xD0000000, s2;
	s6 =	simm.s32 $0x108;
	_ =	swait.ge @!p0 [sflag:s8], $0x0  }
0x24: {  	s3 =	sadd.s32 $0x88, s3;
	s6 =	simm.s32 @!p1 $0x1082;
	[sflag:s4] =	ssyncset.s32 $0xFFFFF086  }
0x25: {  	[simem:s6], [sflag:s4] =	dma.local [hbm:s3], $0xF7A  }
0x26: {  	[smem:$0x3F91] =	sst s1;
	(tag) =	ssettag s2;
	_ =	strace s9  }
0x27: {  	s1 =	sld [smem:$0x3FA1]  }
0x28: {  	s2 =	sld [smem:$0x3FA2]  }
0x29: {  	s4 =	sld [smem:$0x3FA4]  }
0x2a: {  	p0 =	seq.s32 s5, $0x0;
	s5 =	sld [smem:$0x3FA5]  }
0x2b: {  	s6 =	sld [smem:$0x3FA6]  }
0x2c: {  	s7 =	sld [smem:$0x3FA7]  }
0x2d: {  	s3 =	simm.s32 $0x108;
	s8 =	sld [smem:$0x3FA8]  }
0x2e: {  	s3 =	simm.s32 @!p0 $0x1082;
	s9 =	sld [smem:$0x3FA9]  }
0x2f: {  	lr =	sadd.s32 s0, s3;
	s0 =	sld [smem:$0x3FA0]  }
0x30: {  	s3 =	sld [smem:$0x3FA3]  }
0x31: {  	[smem:$0x3FAC] =	sst s10  }
0x32: {  	s10 =	sld [smem:$0x3FAA];
	_ =	sdelay $0x3  }
0x33: {  	p0 =	seq.s32 s10, $0x1;
	s10 =	sld [smem:$0x3FAC];
	_ =	sdelay $0x3  }
0x34: {  	[smem:$0x3FAC] =	sst s10  }
0x35: {  	s10 =	sld [smem:$0x3FAB];
	_ =	sdelay $0x3  }
0x36: {  	p1 =	seq.s32 s10, $0x1;
	s10 =	sld [smem:$0x3FAC];
	_ =	sdelay $0x3  }
0x37: {  	[smem:$0x3FAC] =	sst s10  }
0x38: {  	s10 =	sld [smem:$0x3FAD]  }
0x39: {  	_ = 	snop;
	(pc) =	sbr.ind lr, $3  }
0x3a: {  	_ = 	snop  }
0x3b: {  	_ = 	snop  }
0x3c: {  	p2 =	seq.s32 s10, $0x1;
	s10 =	sld [smem:$0x3FAC]  }
0x3d: {  	_ =	shalt  }
0x3e: {  	_ =	shalt  }
0x3f: {  	_ =	shalt  }
0x40: {  	_ =	shalt  }
0x41: {  	_ =	shalt  }
0x42: {  	_ =	shalt  }
0x43: {  	_ =	shalt  }
0x44: {  	_ =	shalt  }
0x45: {  	_ =	shalt  }
0x46: {  	_ =	shalt  }
0x47: {  	_ =	shalt  }
0x48: {  	_ =	shalt  }
0x49: {  	_ =	shalt  }
0x4a: {  	_ =	shalt  }
0x4b: {  	_ =	shalt  }
0x4c: {  	_ =	shalt  }
0x4d: {  	_ =	shalt  }
0x4e: {  	_ =	shalt  }
0x4f: {  	_ =	shalt  }
0x50: {  	_ =	shalt  }
0x51: {  	_ =	shalt  }
0x52: {  	_ =	shalt  }
0x53: {  	_ =	shalt  }
0x54: {  	_ =	shalt  }
0x55: {  	_ =	shalt  }
0x56: {  	_ =	shalt  }
0x57: {  	_ =	shalt  }
0x58: {  	_ =	shalt  }
0x59: {  	_ =	shalt  }
0x5a: {  	_ =	shalt  }
0x5b: {  	_ =	shalt  }
0x5c: {  	_ =	shalt  }
0x5d: {  	_ =	shalt  }
0x5e: {  	_ =	shalt  }
0x5f: {  	_ =	shalt  }
0x60: {  	_ =	shalt  }
0x61: {  	_ =	shalt  }
0x62: {  	_ =	shalt  }
0x63: {  	_ =	shalt  }
0x64: {  	_ =	shalt  }
0x65: {  	_ =	shalt  }
0x66: {  	_ =	shalt  }
0x67: {  	_ =	shalt  }
0x68: {  	_ =	shalt  }
0x69: {  	_ =	shalt  }
0x6a: {  	_ =	shalt  }
0x6b: {  	_ =	shalt  }
0x6c: {  	_ =	shalt  }
0x6d: {  	_ =	shalt  }
0x6e: {  	_ =	shalt  }
0x6f: {  	_ =	shalt  }
0x70: {  	_ =	shalt  }
0x71: {  	_ =	shalt  }
0x72: {  	_ =	shalt  }
0x73: {  	_ =	shalt  }
0x74: {  	_ =	shalt  }
0x75: {  	_ =	shalt  }
0x76: {  	_ =	shalt  }
0x77: {  	_ =	shalt  }
0x78: {  	_ =	shalt  }
0x79: {  	_ =	shalt  }
0x7a: {  	_ =	shalt  }
0x7b: {  	_ =	shalt  }
0x7c: {  	_ =	shalt  }
0x7d: {  	_ =	shalt  }
0x7e: {  	_ =	shalt  }
0x7f: {  	_ =	shalt  }
0x80: {  	_ =	shalt  }
0x81: {  	_ =	shalt  }
0x82: {  	_ =	shalt  }
0x83: {  	_ =	shalt  }
0x84: {  	_ =	shalt  }
0x85: {  	_ =	shalt  }
0x86: {  	_ =	shalt  }
0x87: {  	_ =	shalt  }
.Lfunc_end0:
.L_simem_size_0:
called_computation.2_lowered:
.L_overlay_start_0:
0x88: {  	s2 =	sld [smem:$0x3FD9]  }
0x89: {  	s3 =	sld [smem:$0x3FFE];
	_ =	sdelay $0x1  }
0x8a: {  	s1 =	srdreg.scid  }
0x8b: {  	s0 =	sand.u32 $0x1, s1  }
0x8c: {  	s14 =	sshll.u32 s0, $0xA;
	s2 =	sadd.s32 s3, s2  }
0x8d: {  	s2 =	sadd.s32 s2, s14  }
0x8e: {  	[smem:$0x3FB8] =	sst s2  }
0x8f: {  	_ = 	snop  }
0x90: {  	s2 =	sld [smem:$0x3FD0];
	_ =	sdelay $0x2  }
0x91: {  	s15 =	simm.s32 $0xA;
	s4 =	simm.s32 $0x10  }
0x92: {  	[smem:s4], [sflag:s15] =	dma.local [hbm:s2], $0x1  }
0x93: {  	_ =	swait.eq [sflag:s15], $0x1  }
0x94: {  	[sflag:s15] =	ssyncset.done $0x0  }
0x95: {  	s16 =	sld [smem:$0x10];
	[sflag:s15] =	ssyncadd.s32 $0xFFFFFFFF  }
0x96: {  	s17 =	sld [smem:$0x11];
	(tm) =	ssettm $0x1  }
0x97: {  	s18 =	sld [smem:$0x3FFB];
	_ =	sdelay $0x3  }
0x98: {  	_ =	strace s18  }
0x99: {  	s4 =	sld [smem:$0x3FFC];
	_ =	sdelay $0x3  }
0x9a: {  	_ =	strace s4  }
0x9b: {  	s4 =	sld [smem:$0x3FFD];
	_ =	sdelay $0x3  }
0x9c: {  	_ =	strace s4  }
0x9d: {  	_ =	strace $0x8FFFFFFF  }
0x9e: {  	s19 =	sld [smem:$0x3FDB];
	_ =	sdelay $0x1  }
0x9f: {  	s5 =	simm.s32 $_scs_section_size  }
0xa0: {  	s6 =	simm.s32 $_size__tile_overlayer_lowered;
	s7 =	simm.s32 $_tile_overlayer_lowered  }
0xa1: {  	s22 =	simm.s32 $0x1BFF;
	s21 =	sshll.u32 s7, $0x1;
	s4 =	sadd.s32 s5, s19  }
0xa2: {  	s8 =	simm.s32 $0x0;
	s20 =	sshll.u32 s6, $0x1;
	s6 =	sadd.s32 s21, s4  }
0xa3: {  	[timem:s8], [sflag:s22] =	dma.local [hbm:s6], s20  }
0xa4: {  	_ =	swait.ge [sflag:s22], s20  }
0xa5: {  	s5 =	ssub.s32 $0x0, s20;
	[sflag:s22] =	ssyncset.done $0x0  }
0xa6: {  	[sflag:s22] =	ssyncadd.s32 s5;
	_ =	sdelay $0x1  }
0xa7: {  	s23 =	simm.s32 $0x1B8B  }
0xa8: {  	_ =	swait.ge [sflag:s23], $0x1  }
0xa9: {  	[sflag:s23] =	ssyncset.done $0x0  }
0xaa: {  	s25 =	simm.s32 $0x1B8E;
	s24 =	sld [smem:$0x3FFE];
	[sflag:s23] =	ssyncadd.s32 $0xFFFFFFFF  }
0xab: {  	s26 =	simm.s32 $execute0_lowered;
	[smem:$0x3FD2] =	sst s25  }
0xac: {  	s6 =	sshll.u32 s26, $0x1;
	_ =	strace $0x8000004C;
	[dreg:$0x1] =	wrdreg $0xFFFFFFFF  }
0xad: {  	s28 =	simm.s32 $_size_execute0_lowered;
	s4 =	sadd.s32 s4, s6;
	[dreg:$0x0] =	wrdreg $0x0  }
0xae: {  	s6 =	sshll.u32 s28, $0x1;
	[dreg:$0x2] =	wrdreg s4  }
0xaf: {  	[dreg:$0x3] =	wrdreg s6  }
0xb0: {  	[dreg:$0x4] =	wrdreg $0xC0  }
0xb1: {  	_ =	task [dreg:s8], $0x5FFFF  }
0xb2: {  	[dreg:$0x1] =	wrdreg $0xFFFFFFFF  }
0xb3: {  	[dreg:$0x0] =	wrdreg $0x60  }
0xb4: {  	[dreg:$0x2] =	wrdreg s24  }
0xb5: {  	[dreg:$0x3] =	wrdreg s17  }
0xb6: {  	[dreg:$0x4] =	wrdreg s16  }
0xb7: {  	[dreg:$0x5] =	wrdreg $0x90000  }
0xb8: {  	[dreg:$0x6] =	wrdreg $0x9  }
0xb9: {  	_ =	task.clear_ibuf [dreg:s8], $0x7FFFF;
	_ =	strace $0x9000004C  }
0xba: {  	s29 =	simm.s32 $0x9;
	_ =	strace $0x8000004E  }
0xbb: {  	_ =	swait.ge [sflag:s29], $0x1  }
0xbc: {  	[sflag:s29] =	ssyncadd.s32 $0xFFFFFFFF  }
0xbd: {  	_ =	strace $0x9000004E  }
0xbe: {  	_ =	sfence  }
0xbf: {  	s30 =	sld [smem:$0x0];
	_ =	sdelay $0x2  }
0xc0: {  	s31 =	sshll.u32 s1, $0xD;
	s1 =	sshrl.u32 s1, $0x2  }
0xc1: {  	s3 =	sand.u32 $0x4000, s31;
	s1 =	sadd.s32 s1, s30  }
0xc2: {  	s0 =	sor.u32 s3, s0;
	s1 =	sshll.u32 s1, $0x11  }
0xc3: {  	s0 =	sor.u32 s1, s0  }
0xc4: {  	s0 =	sadd.s32 $0x8F2B, s0  }
0xc5: {  	[sflag:s0] =	ssyncadd.remote.s32 $0x1  }
0xc6: {  	_ =	sfence.sel $0xFFFF  }
0xc7: {  	[dreg:$0x0] =	wrdreg $0xFFFFFFFF;
	(pc) =	sbr.abs _section_cstart, $3  }
0xc8: {  	[dreg:$0x1] =	wrdreg $0xFFFFFFFF  }
0xc9: {  	_ =	task.clear_ibuf [dreg:s8], $0x2FFFF;
	_ =	strace $0x9FFFFFFF  }
0xca: {  	(tm) =	ssettm $0x7FFFFFFF  }
0xcb: {  	_ =	shalt  }
tec
execute0_lowered:
.L_overlay_start_1:
0x0: {  	(tag) =	ssettag $0x1  }
0x1: {  	s6 =	rddreg [dreg:$0x0]  }
0x2: {  	s7 =	rddreg [dreg:$0x1]  }
0x3: {  	s8 =	rddreg [dreg:$0x2]  }
0x4: {  	s1 =	rddreg [dreg:$0x3]  }
0x5: {  	s0 =	rddreg [dreg:$0x4];
	s3 =	simm.s32 $0x0  }
0x6: {  	s4 =	srdreg.scid;
	s2 =	stileid.u32;
	s17 =	simm.s32 $0x1  }
0x7: {  	s20 =	simm.s32 $0x0;
	[smem:$0x7FF] =	sst s3;
	s10 =	smul.u32 $0x4F000, s2  }
0x8: {  	s9 =	sand.u32 $0x1, s4;
	s4 =	sadd.s32 $0x6E00, s6;
	s13 =	smul.u32 $0x2800, s2  }
0x9: {  	s5 =	sadd.s32 $0x4600, s6;
	s12 =	sadd.s32 $0xA3200, s6;
	s15 =	smul.u32 $0x4E000, s2  }
0xa: {  	s26 =	sshll.u32 s2, $0x6;
	s28 =	smul.u32 $0x2700, s2;
	s19 =	sadd.s32 $0x138000, s1  }
0xb: {  	p0 =	sne.s32 s2, $0xF;
	_ =	strace $0x8000004D;
	s11 =	smul.u32 $0x28000, s9  }
0xc: {  	s24 =	ssub.s32 $0x2, s9;
	s25 =	smul.u32 $0x27100, s9;
	s6 =	sor.u32 $0x1C02, s26  }
0xd: {  	s9 =	smul.u32 $0x138800, s9;
	s19 =	sshrl.u32 @!p0 s19, $0x3;
	s14 =	sshrl.u32 s24, $0x1  }
0xe: {  	s10 =	sshrl.u32 s10, $0x2;
	s29 =	sshrl.u32 s15, $0x2;
	s15 =	simm.s32 $0x80  }
0xf: {  	s14 =	ssub.s32 s24, s14;
	s16 =	sadd.s32 s10, s1;
	s11 =	sadd.s32 s13, s11  }
0x10: {  	s18 =	sadd.s32 s29, s1;
	s10 =	sadd.s32 s28, s25;
	s30 =	sshrl.u32 s9, $0x3  }
0x11: {  	s13 =	simm.s32 $0x2;
	s11 =	sshrl.u32 s11, $0x3;
	s9 =	sadd.s32 s12, s10  }
0x12: {  	s31 =	sadd.s32 s12, s30;
	s12 =	sshrl.u32 s16, $0x3;
	s16 =	simm.s32 $0x5000  }
0x13: {  	s18 =	sshrl.u32 s18, $0x3;
	s7 =	sadd.s32 s7, s11;
	s8 =	sadd.s32 s8, s11  }
0x14: {  	s10 =	sadd.s32 $0x27000, s31;
	s11 =	smax.u32 s14, $0x1;
	s14 =	simm.s32 $0x2800  }
.LBB2_1:
0x15: {  	[spmem:s12], [sflag:s6] =	dma.local [hbm:s5], $0x2780  }
0x16: {  	_ =	swait.ge [sflag:s13], $0x2780  }
0x17: {  	[sflag:s13] =	ssyncset.done $0x0  }
0x18: {  	[sflag:s13] =	ssyncadd.s32 $0xFFFFD880  }
0x19: {  	[tilespmem:s3], [sflag:$0x2] =	stream.linear.gather [hbm4b:s7+s3], $0x2800, $0x38;
	[tilespmem:$0x1CC00] =	vst v63  }
0x1a: {  	_ =	swait.ge [sflag:s13], $0x2800  }
0x1b: {  	[sflag:s13] =	ssyncset.done $0x0  }
0x1c: {  	[sflag:s13] =	ssyncadd.s32 $0xFFFFD800  }
0x1d: {  	[tilespmem:s14], [sflag:$0x2] =	stream.linear.gather [hbm4b:s8+s3], $0x2800, $0x38;
	[tilespmem:$0x1CC00] =	vst v63  }
0x1e: {  	_ =	swait.ge [sflag:s13], $0x2800  }
0x1f: {  	[sflag:s13] =	ssyncset.done $0x0  }
0x20: {  	[sflag:s13] =	ssyncadd.s32 $0xFFFFD800  }
0x21: {  	s21 =	simm.s32 $0x0;
	[bflag:$0x0] =	sbarrier.arrive $0xFFFF  }
0x22: {  	[tilespmem:s16], [sflag:$0x1] =	stream.indirect.gather [hbm4b:s4+s15], $0x80, s21, s15, $0xb8;
	[tilespmem:$0x1CC00] =	vst v63  }
0x23: {  	_ =	swait.ge [sflag:s17], $0x4000  }
0x24: {  	[sflag:s17] =	ssyncset.done $0x0  }
0x25: {  	s31 =	simm.s32 $0x2800;
	[sflag:s17] =	ssyncadd.s32 $0xFFFFC000  }
0x26: {  	[spmem:s1] =	stream.indirect.scatter.add.f32 [tilespmem:s16], [sflag:$0x2], $0x80, s31, s15, $0xb8;
	[tilespmem:$0x1CC00] =	vst v63  }
0x27: {  	_ =	swait.ge [sflag:s13], $0x4000  }
0x28: {  	s22 =	simm.s32 $0x400;
	s21 =	simm.s32 $0x200;
	[sflag:s13] =	ssyncset.done $0x0  }
.LBB2_2:
0x29: {  	s23 =	sshra.s32 s21, $0x2  }
0x2a: {  	[sflag:s13] =	ssyncadd.s32 $0xFFFFC000;
	s21 =	smov.u32 s22;
	s24 =	sadd.s32 $0x200, s22  }
0x2b: {  	[tilespmem:s16], [sflag:$0x1] =	stream.indirect.gather [hbm4b:s4+s15], $0x80, s23, s15, $0xb8;
	[tilespmem:$0x1CC00] =	vst v63  }
0x2c: {  	p1 =	sne.s32 s22, $0x9E00;
	_ =	swait.ge [sflag:s17], $0x4000  }
.Ltmp0:
0x2d: {  	[sflag:s17] =	ssyncset.done $0x0;
	(pc) =	sbr.rel @p1 .LBB2_2-.Ltmp0, $4  }
0x2e: {  	s22 =	sadd.s32 $0x2800, s23;
	[sflag:s17] =	ssyncadd.s32 $0xFFFFC000  }
0x2f: {  	[spmem:s1] =	stream.indirect.scatter.add.f32 [tilespmem:s16], [sflag:$0x2], $0x80, s22, s15, $0xb8;
	[tilespmem:$0x1CC00] =	vst v63  }
0x30: {  	_ =	swait.ge [sflag:s13], $0x4000  }
0x31: {  	s22 =	smov.u32 s24;
	[sflag:s13] =	ssyncset.done $0x0  }
0x32: {  	s21 =	sshra.s32 s21, $0x2;
	[sflag:s13] =	ssyncadd.s32 $0xFFFFC000  }
0x33: {  	[tilespmem:s16], [sflag:$0x1] =	stream.indirect.gather [hbm4b:s4+s15], $0x80, s21, s15, $0xb8;
	[tilespmem:$0x1CC00] =	vst v63  }
0x34: {  	_ =	swait.ge [sflag:s17], $0x4000  }
0x35: {  	[sflag:s17] =	ssyncset.done $0x0  }
0x36: {  	s21 =	sadd.s32 $0x2800, s21;
	[sflag:s17] =	ssyncadd.s32 $0xFFFFC000  }
0x37: {  	[spmem:s1] =	stream.indirect.scatter.add.f32 [tilespmem:s16], [sflag:$0x2], $0x80, s21, s15, $0xb8;
	[tilespmem:$0x1CC00] =	vst v63  }
0x38: {  	_ =	swait.ge [sflag:s13], $0x4000  }
0x39: {  	[sflag:s13] =	ssyncset.done $0x0  }
0x3a: {  	[sflag:s13] =	ssyncadd.s32 $0xFFFFC000  }
0x3b: {  	[bflag:$0x0] =	sbarrier.arrive $0xFFFF  }
0x3c: {  	[hbm:s9], [sflag:s6] =	dma.local [spmem:s18], $0x2700  }
0x3d: {  	s20 =	sadd.s32 $0x1, s20;
	_ =	swait.ge [sflag:s13], $0x2700  }
0x3e: {  	p1 =	sne.s32 s20, s11;
	[sflag:s13] =	ssyncset.done $0x0  }
.Ltmp1:
0x3f: {  	s21 =	simm.s32 @!p0 $0x2;
	[sflag:s13] =	ssyncadd.s32 $0xFFFFD900;
	(pc) =	sbr.rel @p1 .LBB2_1-.Ltmp1, $4  }
0x40: {  	[hbm:s10], [sflag:s6] =	dma.local @!p0 [spmem:s19], $0x100  }
0x41: {  	_ =	swait.ge @!p0 [sflag:s21], $0x100  }
0x42: {  	[sflag:s21] =	ssyncset.done @!p0 $0x0  }
0x43: {  	[sflag:s21] =	ssyncadd.s32 @!p0 $0xFFFFFF00  }
0x44: {  	_ =	sfence.sel $0x180000  }
0x45: {  	[bflag:$0x0] =	sbarrier.arrive $0xFFFF  }
0x46: {  	p0 =	sne.s32 s2, $0x0;
	_ =	strace $0x9000004D  }
0x47: {  	s0 =	sadd.s32 @!p0 $0x100000, s0;
	[bflag:$0x2] =	sbarrier.arrive $0xFFFF  }
0x48: {  	[sflag:s0] =	ssyncadd.tile.s32 @!p0 $0x1;
	_ =	shalt  }
.Lfunc_end2:
_tile_overlayer_lowered:
.L_overlay_start_2:
0x49: {  	(tag) =	ssettag $0x2  }
0x4a: {  	s0 =	rddreg [dreg:$0x0];
	s2 =	stileid.u32  }
0x4b: {  	s1 =	rddreg [dreg:$0x1];
	p0 =	sne.s32 s2, $0x0  }
0x4c: {  	s3 =	rddreg [dreg:$0x2];
	[bflag:$0x3] =	sbarrier.arrive $0xFFFF;
	s2 =	simm.s32 @!p0 $0x1C02  }
0x4d: {  	[timem:s3], [sflag:s2] =	dma.local @!p0 [hbm:s0], s1  }
0x4e: {  	s0 =	simm.s32 @!p0 $0x2  }
0x4f: {  	_ =	swait.ge @!p0 [sflag:s0], s1  }
0x50: {  	s1 =	ssub.s32 @!p0 $0x0, s1;
	[sflag:s0] =	ssyncset.done @!p0 $0x0  }
0x51: {  	[sflag:s0] =	ssyncadd.s32 @!p0 s1  }
0x52: {  	[bflag:$0x3] =	sbarrier.arrive $0xFFFF  }
0x53: {  	_ =	shalt  }

// kernel: kernel.19.cloned.1.call-start
scs
__scs_entry_jumppad:
0x0: {  	(pc) =	sbr.rel $0x88, $3  }
0x1: {  	(tag) =	ssettag $0x0;
	lr =	simm.s32 $0x1  }
0x2: {  	[smem:$0x3F91] =	sst lr;
	_ =	strace $0xD0000000  }
0x3: {  	_ = 	snop  }
0x4: {  	_ = 	snop  }
0x5: {  	_ = 	snop  }
0x6: {  	_ = 	snop  }
0x7: {  	_ = 	snop  }
__scs_overlays_trampoline_lowered:
0x8: {  	[smem:$0x3FA0] =	sst s0  }
0x9: {  	[smem:$0x3FA1] =	sst s1  }
0xa: {  	[smem:$0x3FA2] =	sst s2  }
0xb: {  	[smem:$0x3FA3] =	sst s3  }
0xc: {  	[smem:$0x3FA4] =	sst s4  }
0xd: {  	[smem:$0x3FA5] =	sst s5  }
0xe: {  	[smem:$0x3FA6] =	sst s6  }
0xf: {  	[smem:$0x3FA7] =	sst s7  }
0x10: {  	[smem:$0x3FA8] =	sst s8  }
0x11: {  	[smem:$0x3FA9] =	sst s9;
	s0 =	simm.s32 @!p0 $0x0  }
0x12: {  	s1 =	sld [smem:$0x3F8F];
	s0 =	simm.s32 @p0 $0x1  }
0x13: {  	[smem:$0x3FAA] =	sst s0;
	s0 =	simm.s32 @!p1 $0x0  }
0x14: {  	s2 =	sld [smem:$0x3F8E];
	s0 =	simm.s32 @p1 $0x1  }
0x15: {  	[smem:$0x3FAB] =	sst s0;
	s0 =	simm.s32 @!p2 $0x0  }
0x16: {  	s3 =	sld [smem:$0x3FDB];
	s0 =	simm.s32 @p2 $0x1  }
0x17: {  	s4 =	simm.s32 $0x1BF5;
	[smem:$0x3FAD] =	sst s0  }
0x18: {  	s0 =	sld [smem:$0x3F90];
	_ =	swait.ge [sflag:s4], $0x0  }
0x19: {  	s7 =	sld [smem:$0x3F91]  }
0x1a: {  	s8 =	sadd.s32 $0xFFFFE003, lr  }
0x1b: {  	s9 =	sadd.s32 $0xFFFFFEF7, lr;
	s5 =	simm.s32 $0xFFFFFFFF;
	p2 =	slt.u32 s8, $0xFFFFF086  }
0x1c: {  	p1 =	slt.u32 s9, $0xF7A;
	s5 =	simm.s32 @!p2 $0x0  }
0x1d: {  	s5 =	simm.s32 @p1 $0x1;
	p0 =	seq.s32 s7, s2  }
0x1e: {  	s7 =	smul.u32 @!p0 $0xF7A, s2;
	p2 =	seq.s32 @!p0 s5, $0x0  }
0x1f: {  	s9 =	smul.u32 $0xF7A, s1;
	s8 =	simm.s32 @!p0 $0x1BF5;
	p2 =	por !p2, p0  }
0x20: {  	[sflag:s8] =	ssyncset.s32 @!p0 $0xFFFFF086;
	s6 =	sadd.s32 @!p0 s3, s7;
	s7 =	simm.s32 @!p0 $0x108  }
0x21: {  	s3 =	sadd.s32 s3, s9;
	s6 =	sadd.s32 @!p0 $0x88, s6;
	s7 =	simm.s32 @p2 $0x1082  }
0x22: {  	[simem:s7], [sflag:s8] =	dma.local @!p0 [hbm:s6], $0xF7A  }
0x23: {  	s9 =	sor.u32 $0xD0000000, s2;
	s6 =	simm.s32 $0x108;
	_ =	swait.ge @!p0 [sflag:s8], $0x0  }
0x24: {  	s3 =	sadd.s32 $0x88, s3;
	s6 =	simm.s32 @!p1 $0x1082;
	[sflag:s4] =	ssyncset.s32 $0xFFFFF086  }
0x25: {  	[simem:s6], [sflag:s4] =	dma.local [hbm:s3], $0xF7A  }
0x26: {  	[smem:$0x3F91] =	sst s1;
	(tag) =	ssettag s2;
	_ =	strace s9  }
0x27: {  	s1 =	sld [smem:$0x3FA1]  }
0x28: {  	s2 =	sld [smem:$0x3FA2]  }
0x29: {  	s4 =	sld [smem:$0x3FA4]  }
0x2a: {  	p0 =	seq.s32 s5, $0x0;
	s5 =	sld [smem:$0x3FA5]  }
0x2b: {  	s6 =	sld [smem:$0x3FA6]  }
0x2c: {  	s7 =	sld [smem:$0x3FA7]  }
0x2d: {  	s3 =	simm.s32 $0x108;
	s8 =	sld [smem:$0x3FA8]  }
0x2e: {  	s3 =	simm.s32 @!p0 $0x1082;
	s9 =	sld [smem:$0x3FA9]  }
0x2f: {  	lr =	sadd.s32 s0, s3;
	s0 =	sld [smem:$0x3FA0]  }
0x30: {  	s3 =	sld [smem:$0x3FA3]  }
0x31: {  	[smem:$0x3FAC] =	sst s10  }
0x32: {  	s10 =	sld [smem:$0x3FAA];
	_ =	sdelay $0x3  }
0x33: {  	p0 =	seq.s32 s10, $0x1;
	s10 =	sld [smem:$0x3FAC];
	_ =	sdelay $0x3  }
0x34: {  	[smem:$0x3FAC] =	sst s10  }
0x35: {  	s10 =	sld [smem:$0x3FAB];
	_ =	sdelay $0x3  }
0x36: {  	p1 =	seq.s32 s10, $0x1;
	s10 =	sld [smem:$0x3FAC];
	_ =	sdelay $0x3  }
0x37: {  	[smem:$0x3FAC] =	sst s10  }
0x38: {  	s10 =	sld [smem:$0x3FAD]  }
0x39: {  	_ = 	snop;
	(pc) =	sbr.ind lr, $3  }
0x3a: {  	_ = 	snop  }
0x3b: {  	_ = 	snop  }
0x3c: {  	p2 =	seq.s32 s10, $0x1;
	s10 =	sld [smem:$0x3FAC]  }
0x3d: {  	_ =	shalt  }
0x3e: {  	_ =	shalt  }
0x3f: {  	_ =	shalt  }
0x40: {  	_ =	shalt  }
0x41: {  	_ =	shalt  }
0x42: {  	_ =	shalt  }
0x43: {  	_ =	shalt  }
0x44: {  	_ =	shalt  }
0x45: {  	_ =	shalt  }
0x46: {  	_ =	shalt  }
0x47: {  	_ =	shalt  }
0x48: {  	_ =	shalt  }
0x49: {  	_ =	shalt  }
0x4a: {  	_ =	shalt  }
0x4b: {  	_ =	shalt  }
0x4c: {  	_ =	shalt  }
0x4d: {  	_ =	shalt  }
0x4e: {  	_ =	shalt  }
0x4f: {  	_ =	shalt  }
0x50: {  	_ =	shalt  }
0x51: {  	_ =	shalt  }
0x52: {  	_ =	shalt  }
0x53: {  	_ =	shalt  }
0x54: {  	_ =	shalt  }
0x55: {  	_ =	shalt  }
0x56: {  	_ =	shalt  }
0x57: {  	_ =	shalt  }
0x58: {  	_ =	shalt  }
0x59: {  	_ =	shalt  }
0x5a: {  	_ =	shalt  }
0x5b: {  	_ =	shalt  }
0x5c: {  	_ =	shalt  }
0x5d: {  	_ =	shalt  }
0x5e: {  	_ =	shalt  }
0x5f: {  	_ =	shalt  }
0x60: {  	_ =	shalt  }
0x61: {  	_ =	shalt  }
0x62: {  	_ =	shalt  }
0x63: {  	_ =	shalt  }
0x64: {  	_ =	shalt  }
0x65: {  	_ =	shalt  }
0x66: {  	_ =	shalt  }
0x67: {  	_ =	shalt  }
0x68: {  	_ =	shalt  }
0x69: {  	_ =	shalt  }
0x6a: {  	_ =	shalt  }
0x6b: {  	_ =	shalt  }
0x6c: {  	_ =	shalt  }
0x6d: {  	_ =	shalt  }
0x6e: {  	_ =	shalt  }
0x6f: {  	_ =	shalt  }
0x70: {  	_ =	shalt  }
0x71: {  	_ =	shalt  }
0x72: {  	_ =	shalt  }
0x73: {  	_ =	shalt  }
0x74: {  	_ =	shalt  }
0x75: {  	_ =	shalt  }
0x76: {  	_ =	shalt  }
0x77: {  	_ =	shalt  }
0x78: {  	_ =	shalt  }
0x79: {  	_ =	shalt  }
0x7a: {  	_ =	shalt  }
0x7b: {  	_ =	shalt  }
0x7c: {  	_ =	shalt  }
0x7d: {  	_ =	shalt  }
0x7e: {  	_ =	shalt  }
0x7f: {  	_ =	shalt  }
0x80: {  	_ =	shalt  }
0x81: {  	_ =	shalt  }
0x82: {  	_ =	shalt  }
0x83: {  	_ =	shalt  }
0x84: {  	_ =	shalt  }
0x85: {  	_ =	shalt  }
0x86: {  	_ =	shalt  }
0x87: {  	_ =	shalt  }
.Lfunc_end0:
.L_simem_size_0:
called_computation.3_lowered:
.L_overlay_start_0:
0x88: {  	s2 =	sld [smem:$0x3FD9]  }
0x89: {  	s3 =	sld [smem:$0x3FFE];
	_ =	sdelay $0x1  }
0x8a: {  	s1 =	srdreg.scid  }
0x8b: {  	s0 =	sand.u32 $0x1, s1  }
0x8c: {  	s14 =	sshll.u32 s0, $0xA;
	s2 =	sadd.s32 s3, s2  }
0x8d: {  	s2 =	sadd.s32 s2, s14  }
0x8e: {  	[smem:$0x3FB8] =	sst s2  }
0x8f: {  	_ = 	snop  }
0x90: {  	s2 =	sld [smem:$0x3FD0];
	_ =	sdelay $0x2  }
0x91: {  	s15 =	simm.s32 $0xA;
	s4 =	simm.s32 $0x10  }
0x92: {  	[smem:s4], [sflag:s15] =	dma.local [hbm:s2], $0x1  }
0x93: {  	_ =	swait.eq [sflag:s15], $0x1  }
0x94: {  	[sflag:s15] =	ssyncset.done $0x0  }
0x95: {  	s16 =	sld [smem:$0x10];
	[sflag:s15] =	ssyncadd.s32 $0xFFFFFFFF  }
0x96: {  	s17 =	sld [smem:$0x11];
	(tm) =	ssettm $0x1  }
0x97: {  	s18 =	sld [smem:$0x3FFB];
	_ =	sdelay $0x3  }
0x98: {  	_ =	strace s18  }
0x99: {  	s4 =	sld [smem:$0x3FFC];
	_ =	sdelay $0x3  }
0x9a: {  	_ =	strace s4  }
0x9b: {  	s4 =	sld [smem:$0x3FFD];
	_ =	sdelay $0x3  }
0x9c: {  	_ =	strace s4  }
0x9d: {  	_ =	strace $0x8FFFFFFF  }
0x9e: {  	s19 =	sld [smem:$0x3FDB];
	_ =	sdelay $0x1  }
0x9f: {  	s5 =	simm.s32 $_scs_section_size  }
0xa0: {  	s6 =	simm.s32 $_size__tile_overlayer_lowered;
	s7 =	simm.s32 $_tile_overlayer_lowered  }
0xa1: {  	s22 =	simm.s32 $0x1BFF;
	s21 =	sshll.u32 s7, $0x1;
	s4 =	sadd.s32 s5, s19  }
0xa2: {  	s8 =	simm.s32 $0x0;
	s20 =	sshll.u32 s6, $0x1;
	s6 =	sadd.s32 s21, s4  }
0xa3: {  	[timem:s8], [sflag:s22] =	dma.local [hbm:s6], s20  }
0xa4: {  	_ =	swait.ge [sflag:s22], s20  }
0xa5: {  	s5 =	ssub.s32 $0x0, s20;
	[sflag:s22] =	ssyncset.done $0x0  }
0xa6: {  	[sflag:s22] =	ssyncadd.s32 s5;
	_ =	sdelay $0x1  }
0xa7: {  	s23 =	simm.s32 $0x1B8B  }
0xa8: {  	_ =	swait.ge [sflag:s23], $0x1  }
0xa9: {  	[sflag:s23] =	ssyncset.done $0x0  }
0xaa: {  	s25 =	simm.s32 $0x1B8E;
	s24 =	sld [smem:$0x3FFE];
	[sflag:s23] =	ssyncadd.s32 $0xFFFFFFFF  }
0xab: {  	s26 =	simm.s32 $execute0_lowered;
	[smem:$0x3FD2] =	sst s25  }
0xac: {  	s6 =	sshll.u32 s26, $0x1;
	_ =	strace $0x8000004F;
	[dreg:$0x1] =	wrdreg $0xFFFFFFFF  }
0xad: {  	s28 =	simm.s32 $_size_execute0_lowered;
	s4 =	sadd.s32 s4, s6;
	[dreg:$0x0] =	wrdreg $0x0  }
0xae: {  	s6 =	sshll.u32 s28, $0x1;
	[dreg:$0x2] =	wrdreg s4  }
0xaf: {  	[dreg:$0x3] =	wrdreg s6  }
0xb0: {  	[dreg:$0x4] =	wrdreg $0xC0  }
0xb1: {  	_ =	task [dreg:s8], $0x5FFFF  }
0xb2: {  	[dreg:$0x1] =	wrdreg $0xFFFFFFFF  }
0xb3: {  	[dreg:$0x0] =	wrdreg $0x60  }
0xb4: {  	[dreg:$0x2] =	wrdreg s24  }
0xb5: {  	[dreg:$0x3] =	wrdreg s17  }
0xb6: {  	[dreg:$0x4] =	wrdreg s16  }
0xb7: {  	[dreg:$0x5] =	wrdreg $0x90000  }
0xb8: {  	[dreg:$0x6] =	wrdreg $0x9  }
0xb9: {  	_ =	task.clear_ibuf [dreg:s8], $0x7FFFF;
	_ =	strace $0x9000004F  }
0xba: {  	s29 =	simm.s32 $0x9;
	_ =	strace $0x80000051  }
0xbb: {  	_ =	swait.ge [sflag:s29], $0x1  }
0xbc: {  	[sflag:s29] =	ssyncadd.s32 $0xFFFFFFFF  }
0xbd: {  	_ =	strace $0x90000051  }
0xbe: {  	_ =	sfence  }
0xbf: {  	s30 =	sld [smem:$0x0];
	_ =	sdelay $0x2  }
0xc0: {  	s31 =	sshll.u32 s1, $0xD;
	s1 =	sshrl.u32 s1, $0x2  }
0xc1: {  	s3 =	sand.u32 $0x4000, s31;
	s1 =	sadd.s32 s1, s30  }
0xc2: {  	s0 =	sor.u32 s3, s0;
	s1 =	sshll.u32 s1, $0x11  }
0xc3: {  	s0 =	sor.u32 s1, s0  }
0xc4: {  	s0 =	sadd.s32 $0x8F2B, s0  }
0xc5: {  	[sflag:s0] =	ssyncadd.remote.s32 $0x1  }
0xc6: {  	_ =	sfence.sel $0xFFFF  }
0xc7: {  	[dreg:$0x0] =	wrdreg $0xFFFFFFFF;
	(pc) =	sbr.abs _section_cstart, $3  }
0xc8: {  	[dreg:$0x1] =	wrdreg $0xFFFFFFFF  }
0xc9: {  	_ =	task.clear_ibuf [dreg:s8], $0x2FFFF;
	_ =	strace $0x9FFFFFFF  }
0xca: {  	(tm) =	ssettm $0x7FFFFFFF  }
0xcb: {  	_ =	shalt  }
tec
execute0_lowered:
.L_overlay_start_1:
0x0: {  	(tag) =	ssettag $0x1  }
0x1: {  	s6 =	rddreg [dreg:$0x0]  }
0x2: {  	s7 =	rddreg [dreg:$0x1]  }
0x3: {  	s8 =	rddreg [dreg:$0x2]  }
0x4: {  	s1 =	rddreg [dreg:$0x3]  }
0x5: {  	s0 =	rddreg [dreg:$0x4];
	s3 =	simm.s32 $0x0  }
0x6: {  	s4 =	srdreg.scid;
	s2 =	stileid.u32;
	s17 =	simm.s32 $0x1  }
0x7: {  	s20 =	simm.s32 $0x0;
	[smem:$0x7FF] =	sst s3;
	s10 =	smul.u32 $0x4F000, s2  }
0x8: {  	s9 =	sand.u32 $0x1, s4;
	s4 =	sadd.s32 $0x6E00, s6;
	s13 =	smul.u32 $0x2800, s2  }
0x9: {  	s5 =	sadd.s32 $0x4600, s6;
	s12 =	sadd.s32 $0xA3200, s6;
	s15 =	smul.u32 $0x4E000, s2  }
0xa: {  	s26 =	sshll.u32 s2, $0x6;
	s28 =	smul.u32 $0x2700, s2;
	s19 =	sadd.s32 $0x138000, s1  }
0xb: {  	p0 =	sne.s32 s2, $0xF;
	_ =	strace $0x80000050;
	s11 =	smul.u32 $0x28000, s9  }
0xc: {  	s24 =	ssub.s32 $0x2, s9;
	s25 =	smul.u32 $0x27100, s9;
	s6 =	sor.u32 $0x1C02, s26  }
0xd: {  	s9 =	smul.u32 $0x138800, s9;
	s19 =	sshrl.u32 @!p0 s19, $0x3;
	s14 =	sshrl.u32 s24, $0x1  }
0xe: {  	s10 =	sshrl.u32 s10, $0x2;
	s29 =	sshrl.u32 s15, $0x2;
	s15 =	simm.s32 $0x80  }
0xf: {  	s14 =	ssub.s32 s24, s14;
	s16 =	sadd.s32 s10, s1;
	s11 =	sadd.s32 s13, s11  }
0x10: {  	s18 =	sadd.s32 s29, s1;
	s10 =	sadd.s32 s28, s25;
	s30 =	sshrl.u32 s9, $0x3  }
0x11: {  	s13 =	simm.s32 $0x2;
	s11 =	sshrl.u32 s11, $0x3;
	s9 =	sadd.s32 s12, s10  }
0x12: {  	s31 =	sadd.s32 s12, s30;
	s12 =	sshrl.u32 s16, $0x3;
	s16 =	simm.s32 $0x5000  }
0x13: {  	s18 =	sshrl.u32 s18, $0x3;
	s7 =	sadd.s32 s7, s11;
	s8 =	sadd.s32 s8, s11  }
0x14: {  	s10 =	sadd.s32 $0x27000, s31;
	s11 =	smax.u32 s14, $0x1;
	s14 =	simm.s32 $0x2800  }
.LBB2_1:
0x15: {  	[spmem:s12], [sflag:s6] =	dma.local [hbm:s5], $0x2780  }
0x16: {  	_ =	swait.ge [sflag:s13], $0x2780  }
0x17: {  	[sflag:s13] =	ssyncset.done $0x0  }
0x18: {  	[sflag:s13] =	ssyncadd.s32 $0xFFFFD880  }
0x19: {  	[tilespmem:s3], [sflag:$0x2] =	stream.linear.gather [hbm4b:s7+s3], $0x2800, $0x38;
	[tilespmem:$0x1CC00] =	vst v63  }
0x1a: {  	_ =	swait.ge [sflag:s13], $0x2800  }
0x1b: {  	[sflag:s13] =	ssyncset.done $0x0  }
0x1c: {  	[sflag:s13] =	ssyncadd.s32 $0xFFFFD800  }
0x1d: {  	[tilespmem:s14], [sflag:$0x2] =	stream.linear.gather [hbm4b:s8+s3], $0x2800, $0x38;
	[tilespmem:$0x1CC00] =	vst v63  }
0x1e: {  	_ =	swait.ge [sflag:s13], $0x2800  }
0x1f: {  	[sflag:s13] =	ssyncset.done $0x0  }
0x20: {  	[sflag:s13] =	ssyncadd.s32 $0xFFFFD800  }
0x21: {  	s21 =	simm.s32 $0x0;
	[bflag:$0x0] =	sbarrier.arrive $0xFFFF  }
0x22: {  	[tilespmem:s16], [sflag:$0x1] =	stream.indirect.gather [hbm4b:s4+s15], $0x80, s21, s15, $0xb8;
	[tilespmem:$0x1CC00] =	vst v63  }
0x23: {  	_ =	swait.ge [sflag:s17], $0x4000  }
0x24: {  	[sflag:s17] =	ssyncset.done $0x0  }
0x25: {  	s31 =	simm.s32 $0x2800;
	[sflag:s17] =	ssyncadd.s32 $0xFFFFC000  }
0x26: {  	[spmem:s1] =	stream.indirect.scatter.add.f32 [tilespmem:s16], [sflag:$0x2], $0x80, s31, s15, $0xb8;
	[tilespmem:$0x1CC00] =	vst v63  }
0x27: {  	_ =	swait.ge [sflag:s13], $0x4000  }
0x28: {  	s22 =	simm.s32 $0x400;
	s21 =	simm.s32 $0x200;
	[sflag:s13] =	ssyncset.done $0x0  }
.LBB2_2:
0x29: {  	s23 =	sshra.s32 s21, $0x2  }
0x2a: {  	[sflag:s13] =	ssyncadd.s32 $0xFFFFC000;
	s21 =	smov.u32 s22;
	s24 =	sadd.s32 $0x200, s22  }
0x2b: {  	[tilespmem:s16], [sflag:$0x1] =	stream.indirect.gather [hbm4b:s4+s15], $0x80, s23, s15, $0xb8;
	[tilespmem:$0x1CC00] =	vst v63  }
0x2c: {  	p1 =	sne.s32 s22, $0x9E00;
	_ =	swait.ge [sflag:s17], $0x4000  }
.Ltmp0:
0x2d: {  	[sflag:s17] =	ssyncset.done $0x0;
	(pc) =	sbr.rel @p1 .LBB2_2-.Ltmp0, $4  }
0x2e: {  	s22 =	sadd.s32 $0x2800, s23;
	[sflag:s17] =	ssyncadd.s32 $0xFFFFC000  }
0x2f: {  	[spmem:s1] =	stream.indirect.scatter.add.f32 [tilespmem:s16], [sflag:$0x2], $0x80, s22, s15, $0xb8;
	[tilespmem:$0x1CC00] =	vst v63  }
0x30: {  	_ =	swait.ge [sflag:s13], $0x4000  }
0x31: {  	s22 =	smov.u32 s24;
	[sflag:s13] =	ssyncset.done $0x0  }
0x32: {  	s21 =	sshra.s32 s21, $0x2;
	[sflag:s13] =	ssyncadd.s32 $0xFFFFC000  }
0x33: {  	[tilespmem:s16], [sflag:$0x1] =	stream.indirect.gather [hbm4b:s4+s15], $0x80, s21, s15, $0xb8;
	[tilespmem:$0x1CC00] =	vst v63  }
0x34: {  	_ =	swait.ge [sflag:s17], $0x4000  }
0x35: {  	[sflag:s17] =	ssyncset.done $0x0  }
0x36: {  	s21 =	sadd.s32 $0x2800, s21;
	[sflag:s17] =	ssyncadd.s32 $0xFFFFC000  }
0x37: {  	[spmem:s1] =	stream.indirect.scatter.add.f32 [tilespmem:s16], [sflag:$0x2], $0x80, s21, s15, $0xb8;
	[tilespmem:$0x1CC00] =	vst v63  }
0x38: {  	_ =	swait.ge [sflag:s13], $0x4000  }
0x39: {  	[sflag:s13] =	ssyncset.done $0x0  }
0x3a: {  	[sflag:s13] =	ssyncadd.s32 $0xFFFFC000  }
0x3b: {  	[bflag:$0x0] =	sbarrier.arrive $0xFFFF  }
0x3c: {  	[hbm:s9], [sflag:s6] =	dma.local [spmem:s18], $0x2700  }
0x3d: {  	s20 =	sadd.s32 $0x1, s20;
	_ =	swait.ge [sflag:s13], $0x2700  }
0x3e: {  	p1 =	sne.s32 s20, s11;
	[sflag:s13] =	ssyncset.done $0x0  }
.Ltmp1:
0x3f: {  	s21 =	simm.s32 @!p0 $0x2;
	[sflag:s13] =	ssyncadd.s32 $0xFFFFD900;
	(pc) =	sbr.rel @p1 .LBB2_1-.Ltmp1, $4  }
0x40: {  	[hbm:s10], [sflag:s6] =	dma.local @!p0 [spmem:s19], $0x100  }
0x41: {  	_ =	swait.ge @!p0 [sflag:s21], $0x100  }
0x42: {  	[sflag:s21] =	ssyncset.done @!p0 $0x0  }
0x43: {  	[sflag:s21] =	ssyncadd.s32 @!p0 $0xFFFFFF00  }
0x44: {  	_ =	sfence.sel $0x180000  }
0x45: {  	[bflag:$0x0] =	sbarrier.arrive $0xFFFF  }
0x46: {  	p0 =	sne.s32 s2, $0x0;
	_ =	strace $0x90000050  }
0x47: {  	s0 =	sadd.s32 @!p0 $0x100000, s0;
	[bflag:$0x2] =	sbarrier.arrive $0xFFFF  }
0x48: {  	[sflag:s0] =	ssyncadd.tile.s32 @!p0 $0x1;
	_ =	shalt  }
.Lfunc_end2:
_tile_overlayer_lowered:
.L_overlay_start_2:
0x49: {  	(tag) =	ssettag $0x2  }
0x4a: {  	s0 =	rddreg [dreg:$0x0];
	s2 =	stileid.u32  }
0x4b: {  	s1 =	rddreg [dreg:$0x1];
	p0 =	sne.s32 s2, $0x0  }
0x4c: {  	s3 =	rddreg [dreg:$0x2];
	[bflag:$0x3] =	sbarrier.arrive $0xFFFF;
	s2 =	simm.s32 @!p0 $0x1C02  }
0x4d: {  	[timem:s3], [sflag:s2] =	dma.local @!p0 [hbm:s0], s1  }
0x4e: {  	s0 =	simm.s32 @!p0 $0x2  }
0x4f: {  	_ =	swait.ge @!p0 [sflag:s0], s1  }
0x50: {  	s1 =	ssub.s32 @!p0 $0x0, s1;
	[sflag:s0] =	ssyncset.done @!p0 $0x0  }
0x51: {  	[sflag:s0] =	ssyncadd.s32 @!p0 s1  }
0x52: {  	[bflag:$0x3] =	sbarrier.arrive $0xFFFF  }
0x53: {  	_ =	shalt  }

</sc_bundles>
